<compile_context>
chip_gen: v7x
topology: tpu7x:2x2x1
jax: 0.10.2.dev20260603
libtpu: 0.0.44.dev20260713+nightly
codegen_flags: <defaults>
</compile_context>

<pallas_src>
import functools

import jax
import jax.numpy as jnp
from jax.experimental import pallas as pl
from jax.experimental.pallas import tpu as pltpu

N = 207
E = 2000
B = 4
F_IN = 2
H = 16
T = 12
NH = N * H
TB = T * B
NBLK = 18
RB = (3 * NH) // NBLK
EC = 16
EPAD = EC * 128


def _gcn_gi_kernel(wih_ref, x_ref, edge_ref, w1_ref, b1_ref, w2_ref, b2_ref,
                   w3_ref, b3_ref, beff_ref, gi_ref, a_sc, seqT_sc):
    k = pl.program_id(0)

    @pl.when(k == 0)
    def _prologue():
        a_sc[...] = jnp.zeros((N, N), jnp.float32)

        def edge_chunk(c, carry):
            ch = edge_ref[:, pl.ds(c * 128, 128)]
            s_row = ch[0:1, :]
            d_row = ch[1:2, :]
            s_col = jnp.transpose(s_row)
            src_oh_t = jnp.where(
                jax.lax.broadcasted_iota(jnp.int32, (128, N), 1) == s_col,
                1.0, 0.0).astype(jnp.float32)
            dst_oh = jnp.where(
                jax.lax.broadcasted_iota(jnp.int32, (N, 128), 0) == d_row,
                1.0, 0.0).astype(jnp.float32)
            a_sc[...] += jnp.dot(dst_oh, src_oh_t,
                                 preferred_element_type=jnp.float32)
            return carry

        jax.lax.fori_loop(0, EC, edge_chunk, 0)

        a = a_sc[...]
        out_deg = jnp.sum(a, axis=0, keepdims=True)
        in_deg = jnp.sum(a, axis=1, keepdims=True)
        a_norm = (a * jax.lax.rsqrt(jnp.maximum(out_deg, 1.0))
                    * jax.lax.rsqrt(jnp.maximum(in_deg, 1.0)))
        a_sc[...] = a_norm

        t1 = jnp.dot(a_norm, x_ref[...], preferred_element_type=jnp.float32)
        h1 = jax.nn.relu(jnp.dot(t1, w1_ref[...],
                                 preferred_element_type=jnp.float32)
                         + b1_ref[...])
        t2 = jnp.dot(a_sc[...], h1, preferred_element_type=jnp.float32)
        h2 = jax.nn.relu(jnp.dot(t2, w2_ref[...],
                                 preferred_element_type=jnp.float32)
                         + b2_ref[...])
        t3 = jnp.dot(a_sc[...], h2, preferred_element_type=jnp.float32)
        h3 = (jnp.dot(t3, w3_ref[...], preferred_element_type=jnp.float32)
              + b3_ref[...])
        seqT_sc[...] = jnp.transpose(
            h3.reshape(N, TB, H), (0, 2, 1)).reshape(NH, TB)

    gi_blk = jnp.dot(wih_ref[...], seqT_sc[...],
                     preferred_element_type=jnp.float32)
    gi_ref[0, :, :] = (jnp.transpose(gi_blk)
                       + beff_ref[0, :, :]).astype(jnp.bfloat16)


def _gru_kernel(wT_hbm, gir_ref, giz_ref, gin_ref, bn_ref, out_ref,
                wT_sc, h_sc, sem):
    t = pl.program_id(0)
    bn = bn_ref[...]
    gi_r = gir_ref[0, :, :].astype(jnp.float32)
    gi_z = giz_ref[0, :, :].astype(jnp.float32)
    gi_n = gin_ref[0, :, :].astype(jnp.float32)

    @pl.when(t == 0)
    def _first():
        cp = pltpu.make_async_copy(wT_hbm, wT_sc, sem)
        cp.start()
        r = jax.nn.sigmoid(gi_r)
        z = jax.nn.sigmoid(gi_z)
        n = jnp.tanh(gi_n + r * bn)
        h_sc[...] = (1.0 - z) * n
        cp.wait()

    @pl.when(t > 0)
    def _step():
        h = h_sc[...]
        hb = h.astype(jnp.bfloat16)
        gh_r = jnp.dot(hb, wT_sc[0, :, :],
                       preferred_element_type=jnp.float32)
        gh_z = jnp.dot(hb, wT_sc[1, :, :],
                       preferred_element_type=jnp.float32)
        gh_n = jnp.dot(hb, wT_sc[2, :, :],
                       preferred_element_type=jnp.float32)
        r = jax.nn.sigmoid(gi_r + gh_r)
        z = jax.nn.sigmoid(gi_z + gh_z)
        n = jnp.tanh(gi_n + r * (gh_n + bn))
        h_sc[...] = (1.0 - z) * n + z * h

    @pl.when(t == T - 1)
    def _emit():
        out_ref[...] = h_sc[...]


@functools.partial(jax.jit, static_argnames=("interpret",))
def kernel(inputs, edge_index, W1, b1, W2, b2, W3, b3, W_ih, W_hh, b_ih, b_hh,
           interpret=False):
    f32 = jnp.float32
    x_r = jnp.transpose(inputs, (0, 3, 1, 2)).reshape(N, TB * F_IN)
    edge_p = jnp.pad(edge_index, ((0, 0), (0, EPAD - E)), constant_values=N)
    eye_tb = jnp.eye(TB, dtype=f32)
    w1k = jnp.kron(eye_tb, W1)
    w2k = jnp.kron(eye_tb, W2)
    w3k = jnp.kron(eye_tb, W3)
    b1k = jnp.tile(b1, TB)[None, :]
    b2k = jnp.tile(b2, TB)[None, :]
    b3k = jnp.tile(b3, TB)[None, :]
    b_eff = b_ih + jnp.concatenate([b_hh[:2 * NH], jnp.zeros(NH, f32)])
    b_eff_bc = jnp.broadcast_to(b_eff.reshape(NBLK, 1, RB), (NBLK, TB, RB))
    b_n_bc = jnp.broadcast_to(b_hh[2 * NH:][None, :], (B, NH))
    whhT = jnp.transpose(W_hh.reshape(3, NH, NH), (0, 2, 1)).astype(
        jnp.bfloat16)

    gi18 = pl.pallas_call(
        _gcn_gi_kernel,
        grid=(NBLK,),
        in_specs=[
            pl.BlockSpec((RB, NH), lambda k: (k, 0)),
            pl.BlockSpec((N, TB * F_IN), lambda k: (0, 0)),
            pl.BlockSpec((2, EPAD), lambda k: (0, 0)),
            pl.BlockSpec((TB * F_IN, TB * H), lambda k: (0, 0)),
            pl.BlockSpec((1, TB * H), lambda k: (0, 0)),
            pl.BlockSpec((TB * H, TB * H), lambda k: (0, 0)),
            pl.BlockSpec((1, TB * H), lambda k: (0, 0)),
            pl.BlockSpec((TB * H, TB * H), lambda k: (0, 0)),
            pl.BlockSpec((1, TB * H), lambda k: (0, 0)),
            pl.BlockSpec((1, TB, RB), lambda k: (k, 0, 0)),
        ],
        out_specs=pl.BlockSpec((1, TB, RB), lambda k: (k, 0, 0)),
        out_shape=jax.ShapeDtypeStruct((NBLK, TB, RB), jnp.bfloat16),
        scratch_shapes=[
            pltpu.VMEM((N, N), f32),
            pltpu.VMEM((NH, TB), f32),
        ],
        compiler_params=pltpu.CompilerParams(
            dimension_semantics=("arbitrary",),
            vmem_limit_bytes=128 * 1024 * 1024,
        ),
        interpret=interpret,
    )(W_ih, x_r, edge_p, w1k, b1k, w2k, b2k, w3k, b3k, b_eff_bc)

    gi3 = jnp.transpose(gi18.reshape(3, NBLK // 3, TB, RB),
                        (0, 2, 1, 3)).reshape(3, TB, NH)
    gi_t = gi3.reshape(3, T, B, NH)

    h_final = pl.pallas_call(
        _gru_kernel,
        grid=(T,),
        in_specs=[
            pl.BlockSpec(memory_space=pl.ANY),
            pl.BlockSpec((1, B, NH), lambda t: (t, 0, 0)),
            pl.BlockSpec((1, B, NH), lambda t: (t, 0, 0)),
            pl.BlockSpec((1, B, NH), lambda t: (t, 0, 0)),
            pl.BlockSpec((B, NH), lambda t: (0, 0)),
        ],
        out_specs=pl.BlockSpec((B, NH), lambda t: (0, 0)),
        out_shape=jax.ShapeDtypeStruct((B, NH), f32),
        scratch_shapes=[
            pltpu.VMEM((3, NH, NH), jnp.bfloat16),
            pltpu.VMEM((B, NH), f32),
            pltpu.SemaphoreType.DMA,
        ],
        compiler_params=pltpu.CompilerParams(
            dimension_semantics=("arbitrary",),
            vmem_limit_bytes=128 * 1024 * 1024,
        ),
        interpret=interpret,
    )(whhT, gi_t[0], gi_t[1], gi_t[2], b_n_bc)

    return h_final.reshape(B, N, H)

# --- scband reference (transcript-rebuilt; emitter-appended) ---
"""Pipeline reference for scband-mggcn-cell-32272384263006 (READ-ONLY COPY).

The authoritative reference and input builder live on the scoring server;
editing this copy changes nothing except your own understanding.
"""

import jax, jax.numpy as jnp
import numpy as np

N = 207
E = 2000
B = 4
F_IN = 2
H = 16
T = 12


def setup_inputs(seed: int = 0):
    key = jax.random.key(seed)
    ks = jax.random.split(key, 12)
    inputs = jax.random.normal(ks[0], (N, B, F_IN, T), dtype=jnp.float32)
    edge_index = jax.random.randint(ks[1], (2, E), 0, N, dtype=jnp.int32)
    W1 = jax.random.normal(ks[2], (F_IN, H), dtype=jnp.float32) * 0.1
    b1 = jnp.zeros((H,), dtype=jnp.float32)
    W2 = jax.random.normal(ks[3], (H, H), dtype=jnp.float32) * 0.1
    b2 = jnp.zeros((H,), dtype=jnp.float32)
    W3 = jax.random.normal(ks[4], (H, H), dtype=jnp.float32) * 0.1
    b3 = jnp.zeros((H,), dtype=jnp.float32)
    W_ih = jax.random.normal(ks[5], (3 * N * H, N * H), dtype=jnp.float32) * 0.01
    W_hh = jax.random.normal(ks[6], (3 * N * H, N * H), dtype=jnp.float32) * 0.01
    b_ih = jnp.zeros((3 * N * H,), dtype=jnp.float32)
    b_hh = jnp.zeros((3 * N * H,), dtype=jnp.float32)
    return {"inputs": inputs, "edge_index": edge_index, "W1": W1, "b1": b1,
            "W2": W2, "b2": b2, "W3": W3, "b3": b3,
            "W_ih": W_ih, "W_hh": W_hh, "b_ih": b_ih, "b_hh": b_hh}


def _graph_conv(x, W, b, src, dst):
    # DGL GraphConv with norm='both': D_dst^{-1/2} A D_src^{-1/2} X W + b
    ones = jnp.ones((E,), dtype=jnp.float32)
    out_deg = jnp.maximum(jax.ops.segment_sum(ones, src, num_segments=N), 1.0)
    in_deg = jnp.maximum(jax.ops.segment_sum(ones, dst, num_segments=N), 1.0)
    h = x * (out_deg ** -0.5)[:, None, None]
    m = jax.ops.segment_sum(h[src], dst, num_segments=N)
    m = m * (in_deg ** -0.5)[:, None, None]
    return m @ W + b


def reference(inputs, edge_index, W1, b1, W2, b2, W3, b3, W_ih, W_hh, b_ih, b_hh):
    src = edge_index[0]
    dst = edge_index[1]

    def gcn(x):
        h = jax.nn.relu(_graph_conv(x, W1, b1, src, dst))
        h = jax.nn.relu(_graph_conv(h, W2, b2, src, dst))
        h = _graph_conv(h, W3, b3, src, dst)
        return h

    xt = jnp.moveaxis(inputs, -1, 0)          # [T, N, B, F_IN]
    hs = jax.vmap(gcn)(xt)                     # [T, N, B, H]
    seq = jnp.transpose(hs, (0, 2, 1, 3)).reshape(T, B, N * H)  # [T, B, N*H]

    def gru_step(h, x):
        gi = x @ W_ih.T + b_ih
        gh = h @ W_hh.T + b_hh
        i_r, i_z, i_n = jnp.split(gi, 3, axis=-1)
        h_r, h_z, h_n = jnp.split(gh, 3, axis=-1)
        r = jax.nn.sigmoid(i_r + h_r)
        z = jax.nn.sigmoid(i_z + h_z)
        n = jnp.tanh(i_n + r * h_n)
        h_new = (1.0 - z) * n + z * h
        return h_new, None

    h0 = jnp.zeros((B, N * H), dtype=jnp.float32)
    h_final, _ = jax.lax.scan(gru_step, h0, seq)
    out = h_final.reshape(B, N, H)
    return out

if __name__ == "__main__":
    import jax
    _d = setup_inputs()
    print(jax.jit(kernel)(*tuple(_d.values())))

</pallas_src>

<mosaic_0001>
module attributes {stable_mosaic.version = 14 : i64} {
  func.func @_gcn_gi_kernel(%arg0: i32, %arg1: memref<552x3312xf32, #tpu.memory_space<vmem>>, %arg2: memref<207x96xf32, #tpu.memory_space<vmem>>, %arg3: memref<2x2048xi32, #tpu.memory_space<vmem>>, %arg4: memref<96x768xf32, #tpu.memory_space<vmem>>, %arg5: memref<1x768xf32, #tpu.memory_space<vmem>>, %arg6: memref<768x768xf32, #tpu.memory_space<vmem>>, %arg7: memref<1x768xf32, #tpu.memory_space<vmem>>, %arg8: memref<768x768xf32, #tpu.memory_space<vmem>>, %arg9: memref<1x768xf32, #tpu.memory_space<vmem>>, %arg10: memref<1x48x552xf32, #tpu.memory_space<vmem>>, %arg11: memref<1x48x552xbf16, #tpu.memory_space<vmem>>, %arg12: memref<207x207xf32, #tpu.memory_space<vmem>>, %arg13: memref<3312x48xf32, #tpu.memory_space<vmem>>) attributes {dimension_semantics = [#tpu.dimension_semantics<arbitrary>], iteration_bounds = array<i64: 18>, scalar_prefetch = 0 : i64, scratch_operands = 2 : i64, tpu.core_type = #tpu.core_type<tc>, window_params = [{transform_indices = @transform_0, window_bounds = array<i64: 552, 3312>}, {pipeline_mode = #tpu.pipeline_mode<synchronous>, transform_indices = @transform_1, window_bounds = array<i64: 207, 96>}, {pipeline_mode = #tpu.pipeline_mode<synchronous>, transform_indices = @transform_2, window_bounds = array<i64: 2, 2048>}, {pipeline_mode = #tpu.pipeline_mode<synchronous>, transform_indices = @transform_3, window_bounds = array<i64: 96, 768>}, {pipeline_mode = #tpu.pipeline_mode<synchronous>, transform_indices = @transform_4, window_bounds = array<i64: 1, 768>}, {pipeline_mode = #tpu.pipeline_mode<synchronous>, transform_indices = @transform_5, window_bounds = array<i64: 768, 768>}, {pipeline_mode = #tpu.pipeline_mode<synchronous>, transform_indices = @transform_6, window_bounds = array<i64: 1, 768>}, {pipeline_mode = #tpu.pipeline_mode<synchronous>, transform_indices = @transform_7, window_bounds = array<i64: 768, 768>}, {pipeline_mode = #tpu.pipeline_mode<synchronous>, transform_indices = @transform_8, window_bounds = array<i64: 1, 768>}, {transform_indices = @transform_9, window_bounds = array<i64: 1, 48, 552>}, {transform_indices = @transform_10, window_bounds = array<i64: 1, 48, 552>}]} {
    %eq3A = arith.constant 0 : i32
    %eq3A_0 = arith.cmpi eq, %arg0, %eq3A : i32
    %convert_element_type3A = arith.extui %eq3A_0 : i1 to i32
    %cond3A = arith.constant 0 : i32
    %cond3A_1 = arith.cmpi ne, %convert_element_type3A, %cond3A : i32
    scf.if %cond3A_1 {
      %broadcast_in_dim3A = arith.constant 0.000000e+00 : f32
      %broadcast_in_dim3A_19 = vector.broadcast %broadcast_in_dim3A : f32 to vector<207x207xf32>
      %swap3A_20 = arith.constant 0 : index
      %swap3A_21 = arith.constant 0 : index
      %swap3A_22 = vector.load %arg12[%swap3A_20, %swap3A_21] : memref<207x207xf32, #tpu.memory_space<vmem>>, vector<207x207xf32>
      tpu.vector_store %arg12[%swap3A_20, %swap3A_21], %broadcast_in_dim3A_19 {strides = array<i32>} : memref<207x207xf32, #tpu.memory_space<vmem>>, vector<207x207xf32>,
      %scan3A = arith.constant 0 : i32
      %scan3A_23 = arith.constant 16 : i32
      %scan3A_24 = arith.addi %scan3A, %scan3A_23 : i32
      %scan3A_25 = arith.constant 1 : i32
      scf.for %scan3A_103 = %scan3A to %scan3A_24 step %scan3A_25  : i32 {
        %mul3A_104 = arith.constant 128 : i32
        %mul3A_105 = arith.muli %scan3A_103, %mul3A_104 : i32
        %get3A_106 = arith.constant 0 : index
        %get3A_107 = arith.index_cast %mul3A_105 : i32 to index
        %get3A_108 = vector.load %arg3[%get3A_106, %get3A_107] : memref<2x2048xi32, #tpu.memory_space<vmem>>, vector<2x128xi32>
        %slice3A = vector.extract_strided_slice %get3A_108 {offsets = [0, 0], sizes = [1, 128], strides = [1, 1]} : vector<2x128xi32> to vector<1x128xi32>
        %slice3A_109 = vector.extract_strided_slice %get3A_108 {offsets = [1, 0], sizes = [1, 128], strides = [1, 1]} : vector<2x128xi32> to vector<1x128xi32>
        %transpose3A_110 = tpu.transpose %slice3A, [1, 0] : vector<1x128xi32> -> vector<128x1xi32>
        %iota3A = tpu.iota {dimensions = array<i32: 1>} : vector<128x207xi32>
        %eq3A_111 = vector.broadcast %transpose3A_110 : vector<128x1xi32> to vector<128x207xi32>
        %eq3A_112 = arith.cmpi eq, %iota3A, %eq3A_111 : vector<128x207xi32>
        %jit3A = arith.constant 1.000000e+00 : f32
        %jit3A_113 = arith.constant 0.000000e+00 : f32
        %broadcast_in_dim3A_114 = vector.broadcast %jit3A : f32 to vector<128x207xf32>
        %broadcast_in_dim3A_115 = vector.broadcast %jit3A_113 : f32 to vector<128x207xf32>
        %select_n3A = arith.select %eq3A_112, %broadcast_in_dim3A_114, %broadcast_in_dim3A_115 : vector<128x207xi1>, vector<128x207xf32>
        %iota3A_116 = tpu.iota {dimensions = array<i32: 0>} : vector<207x128xi32>
        %eq3A_117 = vector.broadcast %slice3A_109 : vector<1x128xi32> to vector<207x128xi32>
        %eq3A_118 = arith.cmpi eq, %iota3A_116, %eq3A_117 : vector<207x128xi32>
        %jit3A_119 = arith.constant 1.000000e+00 : f32
        %jit3A_120 = arith.constant 0.000000e+00 : f32
        %broadcast_in_dim3A_121 = vector.broadcast %jit3A_119 : f32 to vector<207x128xf32>
        %broadcast_in_dim3A_122 = vector.broadcast %jit3A_120 : f32 to vector<207x128xf32>
        %select_n3A_123 = arith.select %eq3A_118, %broadcast_in_dim3A_121, %broadcast_in_dim3A_122 : vector<207x128xi1>, vector<207x128xf32>
        %get3A_124 = arith.constant 0 : index
        %get3A_125 = arith.constant 0 : index
        %get3A_126 = vector.load %arg12[%get3A_124, %get3A_125] : memref<207x207xf32, #tpu.memory_space<vmem>>, vector<207x207xf32>
        %dot_general3A_127 = arith.constant dense<0.000000e+00> : vector<207x207xf32>
        %dot_general3A_128 = tpu.matmul %select_n3A_123, %select_n3A, %dot_general3A_127 {dimension_numbers = #tpu.dot_dimension_numbers<[1], [0], [0], [1], [0, 0, 1, 1], [], []>, transpose_lhs_hint = false} : vector<207x128xf32>, vector<128x207xf32>, vector<207x207xf32> -> vector<207x207xf32>
        %add3A_129 = arith.addf %get3A_126, %dot_general3A_128 : vector<207x207xf32>
        %swap3A_130 = arith.constant 0 : index
        %swap3A_131 = arith.constant 0 : index
        %swap3A_132 = vector.load %arg12[%swap3A_130, %swap3A_131] : memref<207x207xf32, #tpu.memory_space<vmem>>, vector<207x207xf32>
        tpu.vector_store %arg12[%swap3A_130, %swap3A_131], %add3A_129 {strides = array<i32>} : memref<207x207xf32, #tpu.memory_space<vmem>>, vector<207x207xf32>,
      }
      %scan3A_26 = arith.constant 16 : i32
      %get3A_27 = arith.constant 0 : index
      %get3A_28 = arith.constant 0 : index
      %get3A_29 = vector.load %arg12[%get3A_27, %get3A_28] : memref<207x207xf32, #tpu.memory_space<vmem>>, vector<207x207xf32>
      %reduce_sum3A = arith.constant dense<0.000000e+00> : vector<207xf32>
      %reduce_sum3A_30 = vector.multi_reduction <add>, %get3A_29, %reduce_sum3A [0] : vector<207x207xf32> to vector<207xf32>
      %broadcast_in_dim3A_31 = vector.shape_cast %reduce_sum3A_30 : vector<207xf32> to vector<1x207xf32>
      %reduce_sum3A_32 = arith.constant dense<0.000000e+00> : vector<207xf32>
      %reduce_sum3A_33 = vector.multi_reduction <add>, %get3A_29, %reduce_sum3A_32 [1] : vector<207x207xf32> to vector<207xf32>
      %broadcast_in_dim3A_34 = vector.shape_cast %reduce_sum3A_33 : vector<207xf32> to vector<207x1xf32>
      %max3A = arith.constant 1.000000e+00 : f32
      %max3A_35 = vector.broadcast %max3A : f32 to vector<1x207xf32>
      %max3A_36 = arith.maximumf %broadcast_in_dim3A_31, %max3A_35 : vector<1x207xf32>
      %rsqrt3A = math.rsqrt %max3A_36 : vector<1x207xf32>
      %mul3A = vector.broadcast %rsqrt3A : vector<1x207xf32> to vector<207x207xf32>
      %mul3A_37 = arith.mulf %get3A_29, %mul3A : vector<207x207xf32>
      %max3A_38 = arith.constant 1.000000e+00 : f32
      %max3A_39 = vector.broadcast %max3A_38 : f32 to vector<207x1xf32>
      %max3A_40 = arith.maximumf %broadcast_in_dim3A_34, %max3A_39 : vector<207x1xf32>
      %rsqrt3A_41 = math.rsqrt %max3A_40 : vector<207x1xf32>
      %mul3A_42 = vector.broadcast %rsqrt3A_41 : vector<207x1xf32> to vector<207x207xf32>
      %mul3A_43 = arith.mulf %mul3A_37, %mul3A_42 : vector<207x207xf32>
      %swap3A_44 = arith.constant 0 : index
      %swap3A_45 = arith.constant 0 : index
      %swap3A_46 = vector.load %arg12[%swap3A_44, %swap3A_45] : memref<207x207xf32, #tpu.memory_space<vmem>>, vector<207x207xf32>
      tpu.vector_store %arg12[%swap3A_44, %swap3A_45], %mul3A_43 {strides = array<i32>} : memref<207x207xf32, #tpu.memory_space<vmem>>, vector<207x207xf32>,
      %get3A_47 = arith.constant 0 : index
      %get3A_48 = arith.constant 0 : index
      %get3A_49 = vector.load %arg2[%get3A_47, %get3A_48] : memref<207x96xf32, #tpu.memory_space<vmem>>, vector<207x96xf32>
      %dot_general3A_50 = arith.constant dense<0.000000e+00> : vector<207x96xf32>
      %dot_general3A_51 = tpu.matmul %mul3A_43, %get3A_49, %dot_general3A_50 {dimension_numbers = #tpu.dot_dimension_numbers<[1], [0], [0], [1], [0, 0, 1, 1], [], []>, transpose_lhs_hint = false} : vector<207x207xf32>, vector<207x96xf32>, vector<207x96xf32> -> vector<207x96xf32>
      %get3A_52 = arith.constant 0 : index
      %get3A_53 = arith.constant 0 : index
      %get3A_54 = vector.load %arg4[%get3A_52, %get3A_53] : memref<96x768xf32, #tpu.memory_space<vmem>>, vector<96x768xf32>
      %dot_general3A_55 = arith.constant dense<0.000000e+00> : vector<207x768xf32>
      %dot_general3A_56 = tpu.matmul %dot_general3A_51, %get3A_54, %dot_general3A_55 {dimension_numbers = #tpu.dot_dimension_numbers<[1], [0], [0], [1], [0, 0, 1, 1], [], []>, transpose_lhs_hint = false} : vector<207x96xf32>, vector<96x768xf32>, vector<207x768xf32> -> vector<207x768xf32>
      %get3A_57 = arith.constant 0 : index
      %get3A_58 = arith.constant 0 : index
      %get3A_59 = vector.load %arg5[%get3A_57, %get3A_58] : memref<1x768xf32, #tpu.memory_space<vmem>>, vector<1x768xf32>
      %add3A_60 = vector.broadcast %get3A_59 : vector<1x768xf32> to vector<207x768xf32>
      %add3A_61 = arith.addf %dot_general3A_56, %add3A_60 : vector<207x768xf32>
      %max3A_62 = arith.constant 0.000000e+00 : f32
      %max3A_63 = vector.broadcast %max3A_62 : f32 to vector<207x768xf32>
      %max3A_64 = arith.maximumf %add3A_61, %max3A_63 : vector<207x768xf32>
      %get3A_65 = arith.constant 0 : index
      %get3A_66 = arith.constant 0 : index
      %get3A_67 = vector.load %arg12[%get3A_65, %get3A_66] : memref<207x207xf32, #tpu.memory_space<vmem>>, vector<207x207xf32>
      %dot_general3A_68 = arith.constant dense<0.000000e+00> : vector<207x768xf32>
      %dot_general3A_69 = tpu.matmul %get3A_67, %max3A_64, %dot_general3A_68 {dimension_numbers = #tpu.dot_dimension_numbers<[1], [0], [0], [1], [0, 0, 1, 1], [], []>, transpose_lhs_hint = false} : vector<207x207xf32>, vector<207x768xf32>, vector<207x768xf32> -> vector<207x768xf32>
      %get3A_70 = arith.constant 0 : index
      %get3A_71 = arith.constant 0 : index
      %get3A_72 = vector.load %arg6[%get3A_70, %get3A_71] : memref<768x768xf32, #tpu.memory_space<vmem>>, vector<768x768xf32>
      %dot_general3A_73 = arith.constant dense<0.000000e+00> : vector<207x768xf32>
      %dot_general3A_74 = tpu.matmul %dot_general3A_69, %get3A_72, %dot_general3A_73 {dimension_numbers = #tpu.dot_dimension_numbers<[1], [0], [0], [1], [0, 0, 1, 1], [], []>, transpose_lhs_hint = false} : vector<207x768xf32>, vector<768x768xf32>, vector<207x768xf32> -> vector<207x768xf32>
      %get3A_75 = arith.constant 0 : index
      %get3A_76 = arith.constant 0 : index
      %get3A_77 = vector.load %arg7[%get3A_75, %get3A_76] : memref<1x768xf32, #tpu.memory_space<vmem>>, vector<1x768xf32>
      %add3A_78 = vector.broadcast %get3A_77 : vector<1x768xf32> to vector<207x768xf32>
      %add3A_79 = arith.addf %dot_general3A_74, %add3A_78 : vector<207x768xf32>
      %max3A_80 = arith.constant 0.000000e+00 : f32
      %max3A_81 = vector.broadcast %max3A_80 : f32 to vector<207x768xf32>
      %max3A_82 = arith.maximumf %add3A_79, %max3A_81 : vector<207x768xf32>
      %get3A_83 = arith.constant 0 : index
      %get3A_84 = arith.constant 0 : index
      %get3A_85 = vector.load %arg12[%get3A_83, %get3A_84] : memref<207x207xf32, #tpu.memory_space<vmem>>, vector<207x207xf32>
      %dot_general3A_86 = arith.constant dense<0.000000e+00> : vector<207x768xf32>
      %dot_general3A_87 = tpu.matmul %get3A_85, %max3A_82, %dot_general3A_86 {dimension_numbers = #tpu.dot_dimension_numbers<[1], [0], [0], [1], [0, 0, 1, 1], [], []>, transpose_lhs_hint = false} : vector<207x207xf32>, vector<207x768xf32>, vector<207x768xf32> -> vector<207x768xf32>
      %get3A_88 = arith.constant 0 : index
      %get3A_89 = arith.constant 0 : index
      %get3A_90 = vector.load %arg8[%get3A_88, %get3A_89] : memref<768x768xf32, #tpu.memory_space<vmem>>, vector<768x768xf32>
      %dot_general3A_91 = arith.constant dense<0.000000e+00> : vector<207x768xf32>
      %dot_general3A_92 = tpu.matmul %dot_general3A_87, %get3A_90, %dot_general3A_91 {dimension_numbers = #tpu.dot_dimension_numbers<[1], [0], [0], [1], [0, 0, 1, 1], [], []>, transpose_lhs_hint = false} : vector<207x768xf32>, vector<768x768xf32>, vector<207x768xf32> -> vector<207x768xf32>
      %get3A_93 = arith.constant 0 : index
      %get3A_94 = arith.constant 0 : index
      %get3A_95 = vector.load %arg9[%get3A_93, %get3A_94] : memref<1x768xf32, #tpu.memory_space<vmem>>, vector<1x768xf32>
      %add3A_96 = vector.broadcast %get3A_95 : vector<1x768xf32> to vector<207x768xf32>
      %add3A_97 = arith.addf %dot_general3A_92, %add3A_96 : vector<207x768xf32>
      %reshape3A = vector.shape_cast %add3A_97 : vector<207x768xf32> to vector<207x48x16xf32>
      %transpose3A_98 = tpu.transpose %reshape3A, [0, 2, 1] : vector<207x48x16xf32> -> vector<207x16x48xf32>
      %reshape3A_99 = vector.shape_cast %transpose3A_98 : vector<207x16x48xf32> to vector<3312x48xf32>
      %swap3A_100 = arith.constant 0 : index
      %swap3A_101 = arith.constant 0 : index
      %swap3A_102 = vector.load %arg13[%swap3A_100, %swap3A_101] : memref<3312x48xf32, #tpu.memory_space<vmem>>, vector<3312x48xf32>
      tpu.vector_store %arg13[%swap3A_100, %swap3A_101], %reshape3A_99 {strides = array<i32>} : memref<3312x48xf32, #tpu.memory_space<vmem>>, vector<3312x48xf32>,
    } else {
    }
    %get3A = arith.constant 0 : index
    %get3A_2 = arith.constant 0 : index
    %get3A_3 = vector.load %arg1[%get3A, %get3A_2] : memref<552x3312xf32, #tpu.memory_space<vmem>>, vector<552x3312xf32>
    %get3A_4 = arith.constant 0 : index
    %get3A_5 = arith.constant 0 : index
    %get3A_6 = vector.load %arg13[%get3A_4, %get3A_5] : memref<3312x48xf32, #tpu.memory_space<vmem>>, vector<3312x48xf32>
    %dot_general3A = arith.constant dense<0.000000e+00> : vector<552x48xf32>
    %dot_general3A_7 = tpu.matmul %get3A_3, %get3A_6, %dot_general3A {dimension_numbers = #tpu.dot_dimension_numbers<[1], [0], [0], [1], [0, 0, 1, 1], [], []>, transpose_lhs_hint = false} : vector<552x3312xf32>, vector<3312x48xf32>, vector<552x48xf32> -> vector<552x48xf32>
    %transpose3A = tpu.transpose %dot_general3A_7, [1, 0] : vector<552x48xf32> -> vector<48x552xf32>
    %get3A_8 = arith.constant 0 : index
    %get3A_9 = arith.constant 0 : index
    %get3A_10 = arith.constant 0 : index
    %get3A_11 = vector.load %arg10[%get3A_8, %get3A_9, %get3A_10] : memref<1x48x552xf32, #tpu.memory_space<vmem>>, vector<1x48x552xf32>
    %get3A_12 = vector.shape_cast %get3A_11 : vector<1x48x552xf32> to vector<48x552xf32>
    %add3A = arith.addf %transpose3A, %get3A_12 : vector<48x552xf32>
    %convert_element_type3A_13 = arith.truncf %add3A : vector<48x552xf32> to vector<48x552xbf16>
    %swap3A = arith.constant 0 : index
    %swap3A_14 = arith.constant 0 : index
    %swap3A_15 = arith.constant 0 : index
    %swap3A_16 = vector.load %arg11[%swap3A, %swap3A_14, %swap3A_15] : memref<1x48x552xbf16, #tpu.memory_space<vmem>>, vector<1x48x552xbf16>
    %swap3A_17 = vector.shape_cast %swap3A_16 : vector<1x48x552xbf16> to vector<48x552xbf16>
    %swap3A_18 = vector.shape_cast %convert_element_type3A_13 : vector<48x552xbf16> to vector<1x48x552xbf16>
    tpu.vector_store %arg11[%swap3A, %swap3A_14, %swap3A_15], %swap3A_18 {strides = array<i32>} : memref<1x48x552xbf16, #tpu.memory_space<vmem>>, vector<1x48x552xbf16>,
    return
  }
  func.func @transform_0(%arg0: i32) -> (i32, i32) {
    %c0_i32 = arith.constant 0 : i32
    %c0_i32_0 = arith.constant 0 : i32
    return %arg0, %c0_i32 : i32, i32
  }
  func.func @transform_1(%arg0: i32) -> (i32, i32) {
    %c0_i32 = arith.constant 0 : i32
    %c0_i32_0 = arith.constant 0 : i32
    %c0_i32_1 = arith.constant 0 : i32
    return %c0_i32, %c0_i32_0 : i32, i32
  }
  func.func @transform_2(%arg0: i32) -> (i32, i32) {
    %c0_i32 = arith.constant 0 : i32
    %c0_i32_0 = arith.constant 0 : i32
    %c0_i32_1 = arith.constant 0 : i32
    return %c0_i32, %c0_i32_0 : i32, i32
  }
  func.func @transform_3(%arg0: i32) -> (i32, i32) {
    %c0_i32 = arith.constant 0 : i32
    %c0_i32_0 = arith.constant 0 : i32
    %c0_i32_1 = arith.constant 0 : i32
    return %c0_i32, %c0_i32_0 : i32, i32
  }
  func.func @transform_4(%arg0: i32) -> (i32, i32) {
    %c0_i32 = arith.constant 0 : i32
    %c0_i32_0 = arith.constant 0 : i32
    %c0_i32_1 = arith.constant 0 : i32
    return %c0_i32, %c0_i32_0 : i32, i32
  }
  func.func @transform_5(%arg0: i32) -> (i32, i32) {
    %c0_i32 = arith.constant 0 : i32
    %c0_i32_0 = arith.constant 0 : i32
    %c0_i32_1 = arith.constant 0 : i32
    return %c0_i32, %c0_i32_0 : i32, i32
  }
  func.func @transform_6(%arg0: i32) -> (i32, i32) {
    %c0_i32 = arith.constant 0 : i32
    %c0_i32_0 = arith.constant 0 : i32
    %c0_i32_1 = arith.constant 0 : i32
    return %c0_i32, %c0_i32_0 : i32, i32
  }
  func.func @transform_7(%arg0: i32) -> (i32, i32) {
    %c0_i32 = arith.constant 0 : i32
    %c0_i32_0 = arith.constant 0 : i32
    %c0_i32_1 = arith.constant 0 : i32
    return %c0_i32, %c0_i32_0 : i32, i32
  }
  func.func @transform_8(%arg0: i32) -> (i32, i32) {
    %c0_i32 = arith.constant 0 : i32
    %c0_i32_0 = arith.constant 0 : i32
    %c0_i32_1 = arith.constant 0 : i32
    return %c0_i32, %c0_i32_0 : i32, i32
  }
  func.func @transform_9(%arg0: i32) -> (i32, i32, i32) {
    %c0_i32 = arith.constant 0 : i32
    %c0_i32_0 = arith.constant 0 : i32
    %c0_i32_1 = arith.constant 0 : i32
    return %arg0, %c0_i32, %c0_i32_0 : i32, i32, i32
  }
  func.func @transform_10(%arg0: i32) -> (i32, i32, i32) {
    %c0_i32 = arith.constant 0 : i32
    %c0_i32_0 = arith.constant 0 : i32
    %c0_i32_1 = arith.constant 0 : i32
    return %arg0, %c0_i32, %c0_i32_0 : i32, i32, i32
  }
}

module attributes {stable_mosaic.version = 14 : i64} {
  func.func @_gru_kernel(%arg0: i32, %arg1: memref<3x3312x3312xbf16, #tpu.memory_space<any>>, %arg2: memref<1x4x3312xbf16, #tpu.memory_space<vmem>>, %arg3: memref<1x4x3312xbf16, #tpu.memory_space<vmem>>, %arg4: memref<1x4x3312xbf16, #tpu.memory_space<vmem>>, %arg5: memref<4x3312xf32, #tpu.memory_space<vmem>>, %arg6: memref<4x3312xf32, #tpu.memory_space<vmem>>, %arg7: memref<3x3312x3312xbf16, #tpu.memory_space<vmem>>, %arg8: memref<4x3312xf32, #tpu.memory_space<vmem>>, %arg9: memref<!tpu.dma_semaphore, #tpu.memory_space<semaphore_mem>>) attributes {dimension_semantics = [#tpu.dimension_semantics<arbitrary>], iteration_bounds = array<i64: 12>, scalar_prefetch = 0 : i64, scratch_operands = 3 : i64, tpu.core_type = #tpu.core_type<tc>, window_params = [{}, {transform_indices = @transform_1, window_bounds = array<i64: 1, 4, 3312>}, {transform_indices = @transform_2, window_bounds = array<i64: 1, 4, 3312>}, {transform_indices = @transform_3, window_bounds = array<i64: 1, 4, 3312>}, {pipeline_mode = #tpu.pipeline_mode<synchronous>, transform_indices = @transform_4, window_bounds = array<i64: 4, 3312>}, {pipeline_mode = #tpu.pipeline_mode<synchronous>, transform_indices = @transform_5, window_bounds = array<i64: 4, 3312>}]} {
    %get3A = arith.constant 0 : index
    %get3A_0 = arith.constant 0 : index
    %get3A_1 = vector.load %arg5[%get3A, %get3A_0] : memref<4x3312xf32, #tpu.memory_space<vmem>>, vector<4x3312xf32>
    %get3A_2 = arith.constant 0 : index
    %get3A_3 = arith.constant 0 : index
    %get3A_4 = arith.constant 0 : index
    %get3A_5 = vector.load %arg2[%get3A_2, %get3A_3, %get3A_4] : memref<1x4x3312xbf16, #tpu.memory_space<vmem>>, vector<1x4x3312xbf16>
    %get3A_6 = vector.shape_cast %get3A_5 : vector<1x4x3312xbf16> to vector<4x3312xbf16>
    %convert_element_type3A = arith.extf %get3A_6 : vector<4x3312xbf16> to vector<4x3312xf32>
    %get3A_7 = arith.constant 0 : index
    %get3A_8 = arith.constant 0 : index
    %get3A_9 = arith.constant 0 : index
    %get3A_10 = vector.load %arg3[%get3A_7, %get3A_8, %get3A_9] : memref<1x4x3312xbf16, #tpu.memory_space<vmem>>, vector<1x4x3312xbf16>
    %get3A_11 = vector.shape_cast %get3A_10 : vector<1x4x3312xbf16> to vector<4x3312xbf16>
    %convert_element_type3A_12 = arith.extf %get3A_11 : vector<4x3312xbf16> to vector<4x3312xf32>
    %get3A_13 = arith.constant 0 : index
    %get3A_14 = arith.constant 0 : index
    %get3A_15 = arith.constant 0 : index
    %get3A_16 = vector.load %arg4[%get3A_13, %get3A_14, %get3A_15] : memref<1x4x3312xbf16, #tpu.memory_space<vmem>>, vector<1x4x3312xbf16>
    %get3A_17 = vector.shape_cast %get3A_16 : vector<1x4x3312xbf16> to vector<4x3312xbf16>
    %convert_element_type3A_18 = arith.extf %get3A_17 : vector<4x3312xbf16> to vector<4x3312xf32>
    %eq3A = arith.constant 0 : i32
    %eq3A_19 = arith.cmpi eq, %arg0, %eq3A : i32
    %convert_element_type3A_20 = arith.extui %eq3A_19 : i1 to i32
    %cond3A = arith.constant 0 : i32
    %cond3A_21 = arith.cmpi ne, %convert_element_type3A_20, %cond3A : i32
    scf.if %cond3A_21 {
      tpu.enqueue_dma source(%arg1 : memref<3x3312x3312xbf16, #tpu.memory_space<any>>) target(%arg7 : memref<3x3312x3312xbf16, #tpu.memory_space<vmem>>) target_semaphore(%arg9 : memref<!tpu.dma_semaphore, #tpu.memory_space<semaphore_mem>>)
      %logistic3A = arith.negf %convert_element_type3A : vector<4x3312xf32>
      %logistic3A_31 = math.exp %logistic3A : vector<4x3312xf32>
      %logistic3A_32 = arith.constant 1.000000e+00 : f32
      %logistic3A_33 = vector.broadcast %logistic3A_32 : f32 to vector<4x3312xf32>
      %logistic3A_34 = arith.addf %logistic3A_33, %logistic3A_31 : vector<4x3312xf32>
      %logistic3A_35 = arith.divf %logistic3A_33, %logistic3A_34 : vector<4x3312xf32>
      %logistic3A_36 = arith.negf %convert_element_type3A_12 : vector<4x3312xf32>
      %logistic3A_37 = math.exp %logistic3A_36 : vector<4x3312xf32>
      %logistic3A_38 = arith.constant 1.000000e+00 : f32
      %logistic3A_39 = vector.broadcast %logistic3A_38 : f32 to vector<4x3312xf32>
      %logistic3A_40 = arith.addf %logistic3A_39, %logistic3A_37 : vector<4x3312xf32>
      %logistic3A_41 = arith.divf %logistic3A_39, %logistic3A_40 : vector<4x3312xf32>
      %mul3A = arith.mulf %logistic3A_35, %get3A_1 : vector<4x3312xf32>
      %add3A = arith.addf %convert_element_type3A_18, %mul3A : vector<4x3312xf32>
      %tanh3A = math.tanh %add3A : vector<4x3312xf32>
      %sub3A = arith.constant 1.000000e+00 : f32
      %sub3A_42 = vector.broadcast %sub3A : f32 to vector<4x3312xf32>
      %sub3A_43 = arith.subf %sub3A_42, %logistic3A_41 : vector<4x3312xf32>
      %mul3A_44 = arith.mulf %sub3A_43, %tanh3A : vector<4x3312xf32>
      %swap3A = arith.constant 0 : index
      %swap3A_45 = arith.constant 0 : index
      %swap3A_46 = vector.load %arg8[%swap3A, %swap3A_45] : memref<4x3312xf32, #tpu.memory_space<vmem>>, vector<4x3312xf32>
      tpu.vector_store %arg8[%swap3A, %swap3A_45], %mul3A_44 {strides = array<i32>} : memref<4x3312xf32, #tpu.memory_space<vmem>>, vector<4x3312xf32>,
      tpu.wait_dma2 semaphore(%arg9 : memref<!tpu.dma_semaphore, #tpu.memory_space<semaphore_mem>>) src(%arg1 : memref<3x3312x3312xbf16, #tpu.memory_space<any>>) dst(%arg7 : memref<3x3312x3312xbf16, #tpu.memory_space<vmem>>)
    } else {
    }
    %gt3A = arith.constant 0 : i32
    %gt3A_22 = arith.cmpi sgt, %arg0, %gt3A : i32
    %convert_element_type3A_23 = arith.extui %gt3A_22 : i1 to i32
    %cond3A_24 = arith.constant 0 : i32
    %cond3A_25 = arith.cmpi ne, %convert_element_type3A_23, %cond3A_24 : i32
    scf.if %cond3A_25 {
      %get3A_31 = arith.constant 0 : index
      %get3A_32 = arith.constant 0 : index
      %get3A_33 = vector.load %arg8[%get3A_31, %get3A_32] : memref<4x3312xf32, #tpu.memory_space<vmem>>, vector<4x3312xf32>
      %convert_element_type3A_34 = arith.truncf %get3A_33 : vector<4x3312xf32> to vector<4x3312xbf16>
      %get3A_35 = arith.constant 0 : index
      %get3A_36 = arith.constant 0 : index
      %get3A_37 = arith.constant 0 : index
      %get3A_38 = vector.load %arg7[%get3A_35, %get3A_36, %get3A_37] : memref<3x3312x3312xbf16, #tpu.memory_space<vmem>>, vector<1x3312x3312xbf16>
      %get3A_39 = vector.shape_cast %get3A_38 : vector<1x3312x3312xbf16> to vector<3312x3312xbf16>
      %dot_general3A = arith.constant dense<0.000000e+00> : vector<4x3312xf32>
      %dot_general3A_40 = tpu.matmul %convert_element_type3A_34, %get3A_39, %dot_general3A {dimension_numbers = #tpu.dot_dimension_numbers<[1], [0], [0], [1], [0, 0, 1, 1], [], []>, transpose_lhs_hint = false} : vector<4x3312xbf16>, vector<3312x3312xbf16>, vector<4x3312xf32> -> vector<4x3312xf32>
      %get3A_41 = arith.constant 1 : index
      %get3A_42 = arith.constant 0 : index
      %get3A_43 = arith.constant 0 : index
      %get3A_44 = vector.load %arg7[%get3A_41, %get3A_42, %get3A_43] : memref<3x3312x3312xbf16, #tpu.memory_space<vmem>>, vector<1x3312x3312xbf16>
      %get3A_45 = vector.shape_cast %get3A_44 : vector<1x3312x3312xbf16> to vector<3312x3312xbf16>
      %dot_general3A_46 = arith.constant dense<0.000000e+00> : vector<4x3312xf32>
      %dot_general3A_47 = tpu.matmul %convert_element_type3A_34, %get3A_45, %dot_general3A_46 {dimension_numbers = #tpu.dot_dimension_numbers<[1], [0], [0], [1], [0, 0, 1, 1], [], []>, transpose_lhs_hint = false} : vector<4x3312xbf16>, vector<3312x3312xbf16>, vector<4x3312xf32> -> vector<4x3312xf32>
      %get3A_48 = arith.constant 2 : index
      %get3A_49 = arith.constant 0 : index
      %get3A_50 = arith.constant 0 : index
      %get3A_51 = vector.load %arg7[%get3A_48, %get3A_49, %get3A_50] : memref<3x3312x3312xbf16, #tpu.memory_space<vmem>>, vector<1x3312x3312xbf16>
      %get3A_52 = vector.shape_cast %get3A_51 : vector<1x3312x3312xbf16> to vector<3312x3312xbf16>
      %dot_general3A_53 = arith.constant dense<0.000000e+00> : vector<4x3312xf32>
      %dot_general3A_54 = tpu.matmul %convert_element_type3A_34, %get3A_52, %dot_general3A_53 {dimension_numbers = #tpu.dot_dimension_numbers<[1], [0], [0], [1], [0, 0, 1, 1], [], []>, transpose_lhs_hint = false} : vector<4x3312xbf16>, vector<3312x3312xbf16>, vector<4x3312xf32> -> vector<4x3312xf32>
      %add3A = arith.addf %convert_element_type3A, %dot_general3A_40 : vector<4x3312xf32>
      %logistic3A = arith.negf %add3A : vector<4x3312xf32>
      %logistic3A_55 = math.exp %logistic3A : vector<4x3312xf32>
      %logistic3A_56 = arith.constant 1.000000e+00 : f32
      %logistic3A_57 = vector.broadcast %logistic3A_56 : f32 to vector<4x3312xf32>
      %logistic3A_58 = arith.addf %logistic3A_57, %logistic3A_55 : vector<4x3312xf32>
      %logistic3A_59 = arith.divf %logistic3A_57, %logistic3A_58 : vector<4x3312xf32>
      %add3A_60 = arith.addf %convert_element_type3A_12, %dot_general3A_47 : vector<4x3312xf32>
      %logistic3A_61 = arith.negf %add3A_60 : vector<4x3312xf32>
      %logistic3A_62 = math.exp %logistic3A_61 : vector<4x3312xf32>
      %logistic3A_63 = arith.constant 1.000000e+00 : f32
      %logistic3A_64 = vector.broadcast %logistic3A_63 : f32 to vector<4x3312xf32>
      %logistic3A_65 = arith.addf %logistic3A_64, %logistic3A_62 : vector<4x3312xf32>
      %logistic3A_66 = arith.divf %logistic3A_64, %logistic3A_65 : vector<4x3312xf32>
      %add3A_67 = arith.addf %dot_general3A_54, %get3A_1 : vector<4x3312xf32>
      %mul3A = arith.mulf %logistic3A_59, %add3A_67 : vector<4x3312xf32>
      %add3A_68 = arith.addf %convert_element_type3A_18, %mul3A : vector<4x3312xf32>
      %tanh3A = math.tanh %add3A_68 : vector<4x3312xf32>
      %sub3A = arith.constant 1.000000e+00 : f32
      %sub3A_69 = vector.broadcast %sub3A : f32 to vector<4x3312xf32>
      %sub3A_70 = arith.subf %sub3A_69, %logistic3A_66 : vector<4x3312xf32>
      %mul3A_71 = arith.mulf %sub3A_70, %tanh3A : vector<4x3312xf32>
      %mul3A_72 = arith.mulf %logistic3A_66, %get3A_33 : vector<4x3312xf32>
      %add3A_73 = arith.addf %mul3A_71, %mul3A_72 : vector<4x3312xf32>
      %swap3A = arith.constant 0 : index
      %swap3A_74 = arith.constant 0 : index
      %swap3A_75 = vector.load %arg8[%swap3A, %swap3A_74] : memref<4x3312xf32, #tpu.memory_space<vmem>>, vector<4x3312xf32>
      tpu.vector_store %arg8[%swap3A, %swap3A_74], %add3A_73 {strides = array<i32>} : memref<4x3312xf32, #tpu.memory_space<vmem>>, vector<4x3312xf32>,
    } else {
    }
    %eq3A_26 = arith.constant 11 : i32
    %eq3A_27 = arith.cmpi eq, %arg0, %eq3A_26 : i32
    %convert_element_type3A_28 = arith.extui %eq3A_27 : i1 to i32
    %cond3A_29 = arith.constant 0 : i32
    %cond3A_30 = arith.cmpi ne, %convert_element_type3A_28, %cond3A_29 : i32
    scf.if %cond3A_30 {
      %get3A_31 = arith.constant 0 : index
      %get3A_32 = arith.constant 0 : index
      %get3A_33 = vector.load %arg8[%get3A_31, %get3A_32] : memref<4x3312xf32, #tpu.memory_space<vmem>>, vector<4x3312xf32>
      %swap3A = arith.constant 0 : index
      %swap3A_34 = arith.constant 0 : index
      %swap3A_35 = vector.load %arg6[%swap3A, %swap3A_34] : memref<4x3312xf32, #tpu.memory_space<vmem>>, vector<4x3312xf32>
      tpu.vector_store %arg6[%swap3A, %swap3A_34], %get3A_33 {strides = array<i32>} : memref<4x3312xf32, #tpu.memory_space<vmem>>, vector<4x3312xf32>,
    } else {
    }
    return
  }
  func.func @transform_1(%arg0: i32) -> (i32, i32, i32) {
    %c0_i32 = arith.constant 0 : i32
    %c0_i32_0 = arith.constant 0 : i32
    %c0_i32_1 = arith.constant 0 : i32
    return %arg0, %c0_i32, %c0_i32_0 : i32, i32, i32
  }
  func.func @transform_2(%arg0: i32) -> (i32, i32, i32) {
    %c0_i32 = arith.constant 0 : i32
    %c0_i32_0 = arith.constant 0 : i32
    %c0_i32_1 = arith.constant 0 : i32
    return %arg0, %c0_i32, %c0_i32_0 : i32, i32, i32
  }
  func.func @transform_3(%arg0: i32) -> (i32, i32, i32) {
    %c0_i32 = arith.constant 0 : i32
    %c0_i32_0 = arith.constant 0 : i32
    %c0_i32_1 = arith.constant 0 : i32
    return %arg0, %c0_i32, %c0_i32_0 : i32, i32, i32
  }
  func.func @transform_4(%arg0: i32) -> (i32, i32) {
    %c0_i32 = arith.constant 0 : i32
    %c0_i32_0 = arith.constant 0 : i32
    %c0_i32_1 = arith.constant 0 : i32
    return %c0_i32, %c0_i32_0 : i32, i32
  }
  func.func @transform_5(%arg0: i32) -> (i32, i32) {
    %c0_i32 = arith.constant 0 : i32
    %c0_i32_0 = arith.constant 0 : i32
    %c0_i32_1 = arith.constant 0 : i32
    return %c0_i32, %c0_i32_0 : i32, i32
  }
}

</mosaic_0001>

<sc_bundles>
// kernel: sparse-core-data-format-call.cloned.1.call-start
scs
called_computation_lowered:
.L_overlay_start_0:
0x0: {  	s1 =	sld [smem:$0x3FD9]  }
0x1: {  	s2 =	sld [smem:$0x3FFE];
	_ =	sdelay $0x1  }
0x2: {  	s3 =	srdreg.scid  }
0x3: {  	s0 =	sand.u32 $0x1, s3  }
0x4: {  	s17 =	sshll.u32 s0, $0xA;
	s1 =	sadd.s32 s2, s1  }
0x5: {  	s1 =	sadd.s32 s1, s17  }
0x6: {  	[smem:$0x3FBC] =	sst s1  }
0x7: {  	_ = 	snop  }
0x8: {  	(tm) =	ssettm $0x1  }
0x9: {  	s18 =	sld [smem:$0x3FFB];
	_ =	sdelay $0x3  }
0xa: {  	_ =	strace s18  }
0xb: {  	s1 =	sld [smem:$0x3FFC];
	_ =	sdelay $0x3  }
0xc: {  	_ =	strace s1  }
0xd: {  	s1 =	sld [smem:$0x3FFD];
	_ =	sdelay $0x3  }
0xe: {  	_ =	strace s1  }
0xf: {  	_ =	strace $0x8FFFFFFF  }
0x10: {  	s19 =	sld [smem:$0x3FDB];
	_ =	sdelay $0x1  }
0x11: {  	s20 =	simm.s32 $_scs_section_size  }
0x12: {  	s4 =	simm.s32 $_size__tile_overlayer_lowered;
	s5 =	simm.s32 $_tile_overlayer_lowered  }
0x13: {  	s23 =	simm.s32 $0x1BFF;
	s22 =	sshll.u32 s5, $0x1;
	s1 =	sadd.s32 s20, s19  }
0x14: {  	s6 =	simm.s32 $0x0;
	s21 =	sshll.u32 s4, $0x1;
	s4 =	sadd.s32 s22, s1  }
0x15: {  	[timem:s6], [sflag:s23] =	dma.local [hbm:s4], s21  }
0x16: {  	_ =	swait.ge [sflag:s23], s21  }
0x17: {  	s2 =	ssub.s32 $0x0, s21;
	[sflag:s23] =	ssyncset.done $0x0  }
0x18: {  	[sflag:s23] =	ssyncadd.s32 s2;
	_ =	sdelay $0x1  }
0x19: {  	s24 =	simm.s32 $0x1B8B  }
0x1a: {  	_ =	swait.ge [sflag:s24], $0x1  }
0x1b: {  	[sflag:s24] =	ssyncset.done $0x0  }
0x1c: {  	s26 =	simm.s32 $0x1B8E;
	s25 =	sld [smem:$0x3FFE];
	[sflag:s24] =	ssyncadd.s32 $0xFFFFFFFF  }
0x1d: {  	s27 =	simm.s32 $execute0_lowered;
	[smem:$0x3FD2] =	sst s26  }
0x1e: {  	s4 =	sshll.u32 s27, $0x1;
	_ =	strace $0x80000046;
	[dreg:$0x1] =	wrdreg $0xFFFFFFFF  }
0x1f: {  	s28 =	simm.s32 $_size_execute0_lowered;
	s1 =	sadd.s32 s1, s4;
	[dreg:$0x0] =	wrdreg $0x0  }
0x20: {  	s4 =	sshll.u32 s28, $0x1;
	[dreg:$0x2] =	wrdreg s1  }
0x21: {  	[dreg:$0x3] =	wrdreg s4  }
0x22: {  	[dreg:$0x4] =	wrdreg $0xC0  }
0x23: {  	_ =	task [dreg:s6], $0x5FFFF  }
0x24: {  	[dreg:$0x1] =	wrdreg $0xFFFFFFFF  }
0x25: {  	[dreg:$0x0] =	wrdreg $0x60  }
0x26: {  	[dreg:$0x2] =	wrdreg s25  }
0x27: {  	[dreg:$0x3] =	wrdreg $0x9  }
0x28: {  	_ =	task.clear_ibuf [dreg:s6], $0x4FFFF;
	_ =	strace $0x90000046  }
0x29: {  	s29 =	simm.s32 $0x9;
	_ =	strace $0x80000048  }
0x2a: {  	_ =	swait.ge [sflag:s29], $0x1  }
0x2b: {  	[sflag:s29] =	ssyncadd.s32 $0xFFFFFFFF  }
0x2c: {  	_ =	strace $0x90000048  }
0x2d: {  	_ =	sfence  }
0x2e: {  	s30 =	sld [smem:$0x0];
	_ =	sdelay $0x2  }
0x2f: {  	s31 =	sshll.u32 s3, $0xD;
	s3 =	sshrl.u32 s3, $0x2  }
0x30: {  	s2 =	sand.u32 $0x4000, s31;
	s1 =	sadd.s32 s3, s30  }
0x31: {  	s0 =	sor.u32 s2, s0;
	s1 =	sshll.u32 s1, $0x11  }
0x32: {  	s0 =	sor.u32 s1, s0  }
0x33: {  	s0 =	sadd.s32 $0x8F2B, s0  }
0x34: {  	[sflag:s0] =	ssyncadd.remote.s32 $0x1  }
0x35: {  	_ =	sfence.sel $0xFFFF  }
0x36: {  	[dreg:$0x0] =	wrdreg $0xFFFFFFFF;
	(pc) =	sbr.abs _section_cstart, $3  }
0x37: {  	[dreg:$0x1] =	wrdreg $0xFFFFFFFF  }
0x38: {  	_ =	task.clear_ibuf [dreg:s6], $0x2FFFF;
	_ =	strace $0x9FFFFFFF  }
0x39: {  	(tm) =	ssettm $0x7FFFFFFF  }
tec
execute0_lowered:
.L_overlay_start_1:
0x0: {  	(tag) =	ssettag $0x1  }
0x1: {  	s0 =	srdreg.scid  }
0x2: {  	s1 =	stileid.u32;
	s28 =	rddreg [dreg:$0x0]  }
0x3: {  	_ =	strace $0x80000047;
	s30 =	simm.s32 $0x1;
	s0 =	sshll.u32 s0, $0x4  }
0x4: {  	s8 =	simm.s32 $0x0;
	s31 =	simm.s32 $0x2;
	s0 =	sand.u32 $0x10, s0  }
0x5: {  	s18 =	simm.s32 $0x0;
	s10 =	simm.s32 $0x3400;
	s0 =	sor.u32 s1, s0  }
0x6: {  	s19 =	simm.s32 $0x0;
	s20 =	simm.s32 $0x0;
	s7 =	sshll.u32 s0, $0x7  }
0x7: {  	s11 =	simm.s32 $0x0;
	s12 =	simm.s32 $0x0;
	s1 =	ssub.s32 $0xCF0, s7  }
0x8: {  	s14 =	simm.s32 $0x0;
	s2 =	sadd.s32 $0x1E00, s28;
	p0 =	sgt.s32 s1, $0x0  }
0x9: {  	s13 =	simm.s32 $0x0;
	[dreg:$0x3] =	wrdreg s2;
	s1 =	simm.s32 @!p0 $0x0  }
.Ltmp0:
0xa: {  	s0 =	sadd.s32 $0x1FA800, s28;
	s29 =	sand.u32 $0xFF0, s1;
	(pc) =	sbr.rel .LBB1_1-.Ltmp0, $4  }
0xb: {  	s16 =	simm.s32 $0x0;
	[dreg:$0x4] =	wrdreg s0;
	p0 =	seq.s32 s29, $0x0  }
0xc: {  	s17 =	simm.s32 $0x0;
	[dreg:$0x2] =	wrdreg s7;
	s8 =	simm.s32 @!p0 $0x27  }
0xd: {  	[sflag:s30] =	ssyncpa.u1 $0x0;
	s9 =	sadd.s32 $0x1, s8;
	[dreg:$0x5] =	wrdreg s8  }
0xe: {  	[sflag:s31] =	ssyncpa.u1 $0x0;
	s15 =	smov.u32 s7;
	[dreg:$0x6] =	wrdreg s9  }
.LBB1_16:
0xf: {  	s11 =	rddreg [dreg:$0x7]  }
0x10: {  	s12 =	rddreg [dreg:$0x8]  }
0x11: {  	s16 =	rddreg [dreg:$0x13]  }
0x12: {  	s18 =	rddreg [dreg:$0x12]  }
0x13: {  	s20 =	rddreg [dreg:$0x11]  }
0x14: {  	s27 =	rddreg [dreg:$0x14]  }
0x15: {  	s28 =	rddreg [dreg:$0x4]  }
0x16: {  	s7 =	rddreg [dreg:$0x2]  }
0x17: {  	s8 =	rddreg [dreg:$0x5]  }
0x18: {  	s9 =	rddreg [dreg:$0x6]  }
0x19: {  	s13 =	rddreg [dreg:$0x9];
	s0 =	sshrl.u32 s11, $0x3  }
0x1a: {  	s1 =	sand.u32 $0x1, s11;
	s2 =	sshll.u32 s12, $0x3;
	s3 =	sshll.u32 s11, $0x7  }
0x1b: {  	p0 =	sgt.s32 s12, $0xC80;
	s4 =	smov.u32 s12;
	s15 =	sshll.u32 s12, $0x1  }
0x1c: {  	s0 =	smul.u32 $0x6800, s0;
	s2 =	sand.u32 $0xFFFFFC00, s2;
	s4 =	simm.s32 @!p0 $0xC80  }
0x1d: {  	s14 =	sand.u32 $0x300, s3;
	p0 =	sgt.s32 s11, $0xBF0;
	s3 =	sadd.s32 s16, s4  }
0x1e: {  	s16 =	rddreg [dreg:$0xc];
	s0 =	sadd.s32 s2, s0;
	s2 =	sand.u32 $0xFE, s15  }
0x1f: {  	s5 =	sadd.s32 $0xFFFFF380, s3;
	s3 =	ssub.s32 $0xD00, s3;
	s15 =	rddreg [dreg:$0xb]  }
0x20: {  	s0 =	sor.u32 s14, s0;
	s1 =	sor.u32 s1, s2;
	p1 =	sgt.s32 s5, $0x7F  }
0x21: {  	s2 =	smov.u32 s11;
	s14 =	rddreg [dreg:$0xa];
	s17 =	smulhi.u32 $0x4EC4EC4F, s0  }
0x22: {  	s2 =	simm.s32 @!p0 $0xBF0;
	s3 =	simm.s32 @p1 $0x0;
	s25 =	smul.u32 $0xA8300, s14  }
0x23: {  	s0 =	sor.u32 s0, s1;
	s2 =	sadd.s32 s18, s2;
	s1 =	smul.u32 s20, s3  }
0x24: {  	s22 =	smulhi.u32 $0x4EC4EC4F, s0;
	s18 =	rddreg [dreg:$0xe];
	s4 =	sshrl.u32 s17, $0xA  }
0x25: {  	s10 =	simm.s32 $0x3400;
	s20 =	rddreg [dreg:$0x10];
	s19 =	smulhi.u32 $0x13C996, s4  }
0x26: {  	s21 =	sadd.s32 $0xFFFFF410, s2;
	s2 =	ssub.s32 $0xCF0, s2;
	s17 =	rddreg [dreg:$0xd]  }
0x27: {  	p0 =	sgt.s32 s21, $0xFF;
	s3 =	sshrl.u32 s22, $0xA;
	s5 =	smul.u32 $0xCF0, s19  }
0x28: {  	s2 =	simm.s32 @p0 $0x0;
	s23 =	smul.u32 $0xD00, s3;
	s3 =	sshrl.u32 s27, $0x1  }
0x29: {  	s1 =	smul.u32 s2, s1;
	s3 =	sor.u32 $0x8000, s3;
	s24 =	ssub.s32 s4, s5  }
0x2a: {  	s19 =	rddreg [dreg:$0xf];
	s0 =	ssub.s32 s0, s23;
	s26 =	smul.u32 $0xD0, s24  }
0x2b: {  	s1 =	sshrl.u32 s1, $0x1;
	s4 =	sadd.s32 s28, s25;
	s29 =	sshll.u32 s0, $0x11  }
0x2c: {  	s0 =	sshrl.u32 s0, $0x4;
	s30 =	sand.u32 $0x1C0000, s29;
	s2 =	sadd.s32 s26, s4  }
0x2d: {  	s1 =	sand.u32 $0x3FFFFFFF, s1;
	s31 =	sor.u32 $0x200, s30;
	s0 =	sadd.s32 s0, s2  }
0x2e: {  	[hbm4b:s0+s31] =	stream.strided.scatter [tilespmem:s3], [sflag:$0x2], s1, s10, s31, $0x20;
	[tilespmem:$0x10100] =	vst v63  }
.LBB1_17:
0x2f: {  	p0 =	slt.u32 s17, $0x2  }
0x30: {  	p1 =	sgt.s32 @!p0 s20, $0x2  }
0x31: {  	s0 =	smov.u32 s20;
	s1 =	sshra.s32 @!p0 s20, $0x1F;
	p1 =	por !p1, p0  }
0x32: {  	s1 =	sand.u32 @!p0 s1, s20;
	s0 =	simm.s32 @p1 $0x2  }
0x33: {  	s3 =	smov.u32 s18;
	p2 =	sgt.s32 @!p0 s19, $0xC80;
	s0 =	ssub.s32 @!p0 s0, s1  }
0x34: {  	s2 =	sshra.s32 @!p0 s19, $0x1F;
	p2 =	por !p2, p0;
	s1 =	sadd.s32 @!p0 $0xFFFFFFFE, s0  }
0x35: {  	s2 =	sand.u32 @!p0 s2, s19;
	p1 =	sgt.s32 @!p0 s1, $0x0;
	s1 =	smov.u32 s19  }
0x36: {  	s0 =	ssub.s32 @!p0 $0x3, s0;
	s1 =	simm.s32 @p2 $0xC80;
	p2 =	sgt.s32 @!p0 s18, $0xBF0  }
0x37: {  	p2 =	por !p2, p0;
	s1 =	ssub.s32 @!p0 s1, s2;
	s2 =	sshra.s32 @!p0 s18, $0x1F  }
0x38: {  	s3 =	simm.s32 @p2 $0xBF0;
	s2 =	sand.u32 @!p0 s2, s18;
	s4 =	sadd.s32 @!p0 $0xFFFFF380, s1  }
0x39: {  	p1 =	por !p1, p0;
	s2 =	ssub.s32 @!p0 s3, s2;
	p2 =	sgt.s32 @!p0 s4, $0x7F  }
0x3a: {  	s1 =	ssub.s32 @!p0 $0xD00, s1;
	s3 =	sadd.s32 @!p0 $0xFFFFF410, s2;
	p2 =	por !p2, p0  }
0x3b: {  	s0 =	simm.s32 @!p1 $0x0;
	s1 =	simm.s32 @!p2 $0x0;
	p1 =	sgt.s32 @!p0 s3, $0xFF  }
0x3c: {  	s2 =	ssub.s32 @!p0 $0xCF0, s2;
	p1 =	por !p1, p0;
	s0 =	smul.u32 @!p0 s0, s1  }
0x3d: {  	s3 =	smov.u32 s15;
	s1 =	sadd.s32 $0x100, s13;
	s2 =	simm.s32 @!p1 $0x0  }
0x3e: {  	p1 =	sgt.s32 s1, $0xCEF;
	s0 =	smul.u32 @!p0 s2, s0;
	s2 =	sadd.s32 $0x1000, s15  }
0x3f: {  	s3 =	smov.u32 @p1 s2  }
0x40: {  	s1 =	simm.s32 @p1 $0x0;
	s2 =	simm.s32 $0x1;
	p1 =	sgt.s32 s3, $0xCEF  }
0x41: {  	s2 =	simm.s32 @!p1 $0x0  }
0x42: {  	s20 =	smov.u32 s14;
	s2 =	sadd.s32 s2, s16  }
0x43: {  	s14 =	smov.u32 s16;
	s3 =	smov.u32 @p1 s7;
	p1 =	sgt.s32 s2, $0x2  }
0x44: {  	s19 =	smov.u32 s12;
	s2 =	simm.s32 @p1 $0x0;
	p1 =	sne.s32 s17, s9  }
.Ltmp1:
0x45: {  	s12 =	smov.u32 s15;
	s0 =	sshrl.u32 @!p0 s0, $0x1;
	(pc) =	sbr.rel @!p1 .LBB1_18-.Ltmp1, $4  }
0x46: {  	s18 =	smov.u32 s11;
	s4 =	simm.s32 @!p0 $0x2;
	s0 =	sand.u32 @!p0 $0x3FFFFFFF, s0  }
0x47: {  	s11 =	smov.u32 s13;
	s13 =	smov.u32 s1;
	_ =	swait.ge @!p0 [sflag:s4], s0  }
0x48: {  	s0 =	ssub.s32 @!p0 $0x0, s0;
	s15 =	smov.u32 s3;
	[sflag:s4] =	ssyncset.done @!p0 $0x0  }
0x49: {  	s17 =	sadd.s32 $0x1, s17;
	[sflag:s4] =	ssyncadd.s32 @!p0 s0;
	s16 =	smov.u32 s2  }
.LBB1_1:
0x4a: {  	p0 =	sge.u32 s17, s8  }
.Ltmp2:
0x4b: {  	_ = 	snop;
	(pc) =	sbr.rel @p0 .LBB1_3-.Ltmp2, $1  }
0x4c: {  	_ =	sdelay $0x3  }
0x4d: {  	s0 =	sshrl.u32 s15, $0x3;
	s1 =	sshll.u32 s13, $0x3;
	s2 =	sshll.u32 s15, $0x7  }
0x4e: {  	s4 =	sshll.u32 s13, $0x1;
	s3 =	sand.u32 $0x1, s15;
	p0 =	sgt.s32 s16, $0x2  }
0x4f: {  	s6 =	sshra.s32 s16, $0x1F;
	s21 =	sshra.s32 s13, $0x1F;
	s0 =	smul.u32 $0x6800, s0  }
0x50: {  	s28 =	smul.u32 $0xA8300, s16;
	s31 =	rddreg [dreg:$0x3];
	s1 =	sand.u32 $0xFFFFFC00, s1  }
0x51: {  	s2 =	sand.u32 $0x300, s2;
	s5 =	sand.u32 $0xFE, s4;
	s0 =	sadd.s32 s0, s1  }
0x52: {  	s1 =	sor.u32 s3, s5;
	s3 =	sand.u32 s6, s16;
	s5 =	sshra.s32 s15, $0x1F  }
0x53: {  	s0 =	sor.u32 s2, s0;
	s2 =	smov.u32 s16;
	s5 =	sand.u32 s5, s15  }
0x54: {  	s4 =	smulhi.u32 $0x4EC4EC4F, s0;
	s2 =	simm.s32 @!p0 $0x2;
	p0 =	sgt.s32 s15, $0xC70  }
0x55: {  	s0 =	sor.u32 s0, s1;
	s2 =	ssub.s32 s2, s3;
	s3 =	smov.u32 s15  }
0x56: {  	s25 =	smulhi.u32 $0x4EC4EC4F, s0;
	s6 =	sadd.s32 $0xFFFFFFFE, s2;
	s3 =	simm.s32 @!p0 $0xC70  }
0x57: {  	s2 =	ssub.s32 $0x3, s2;
	s4 =	sshrl.u32 s4, $0xA;
	p0 =	sgt.s32 s6, $0x0  }
0x58: {  	s3 =	ssub.s32 s3, s5;
	s6 =	smov.u32 s13;
	s22 =	smulhi.u32 $0x13C996, s4  }
0x59: {  	s2 =	simm.s32 @p0 $0x0;
	s5 =	sadd.s32 $0xFFFFF390, s3;
	p0 =	sgt.s32 s13, $0xC00  }
0x5a: {  	s3 =	ssub.s32 $0xCF0, s3;
	s6 =	simm.s32 @!p0 $0xC00;
	p0 =	sgt.s32 s5, $0x7F  }
0x5b: {  	s5 =	sand.u32 s21, s13;
	s26 =	smul.u32 $0xCF0, s22;
	s3 =	simm.s32 @p0 $0x0  }
0x5c: {  	s5 =	ssub.s32 s6, s5;
	s23 =	smul.u32 s2, s3;
	s2 =	sshrl.u32 s25, $0xA  }
0x5d: {  	s24 =	sadd.s32 $0xFFFFF400, s5;
	s4 =	ssub.s32 s4, s26;
	s2 =	smul.u32 $0xD00, s2  }
0x5e: {  	s3 =	ssub.s32 $0xD00, s5;
	p0 =	sgt.s32 s24, $0xFF;
	s29 =	smul.u32 $0xD0, s4  }
0x5f: {  	s27 =	sxor.u32 $0xFFFFFFFF, s17;
	s5 =	sadd.s32 s31, s28;
	s3 =	simm.s32 @p0 $0x0  }
0x60: {  	s1 =	smul.u32 s3, s23;
	s0 =	ssub.s32 s0, s2;
	s2 =	sadd.s32 s29, s5  }
0x61: {  	s3 =	sshll.u32 s27, $0xE;
	s30 =	sshrl.u32 s0, $0x4;
	s0 =	sshll.u32 s0, $0x11  }
0x62: {  	s3 =	sand.u32 $0x4000, s3;
	s1 =	sshrl.u32 s1, $0x1;
	s0 =	sand.u32 $0x1C0000, s0  }
0x63: {  	s2 =	sadd.s32 s30, s2;
	s1 =	sand.u32 $0x3FFFFFFF, s1;
	s0 =	sor.u32 $0x400, s0  }
0x64: {  	[tilespmem:s3], [sflag:$0x1] =	stream.strided.gather [hbm4b:s2+s0], s1, s10, s0, $0x38;
	[tilespmem:$0x10100] =	vst v63  }
.LBB1_3:
0x65: {  	s0 =	sadd.s32 $0xFFFFFFFF, s17  }
0x66: {  	p0 =	sge.u32 s0, s8  }
.Ltmp3:
0x67: {  	_ = 	snop;
	(pc) =	sbr.rel @p0 .LBB1_17-.Ltmp3, $1  }
0x68: {  	_ =	sdelay $0x3  }
0x69: {  	[dreg:$0x10] =	wrdreg s20  }
0x6a: {  	[dreg:$0xf] =	wrdreg s19  }
0x6b: {  	[dreg:$0xe] =	wrdreg s18  }
0x6c: {  	[dreg:$0xc] =	wrdreg s16;
	p0 =	sgt.s32 s14, $0x2  }
0x6d: {  	s0 =	smov.u32 s14;
	s1 =	sshra.s32 s14, $0x1F;
	s21 =	ssub.s32 $0x0, s12  }
0x6e: {  	s2 =	sshra.s32 s12, $0x1F;
	s3 =	smov.u32 s12;
	s23 =	ssub.s32 $0x0, s11  }
0x6f: {  	s24 =	sshra.s32 s11, $0x1F;
	s0 =	simm.s32 @!p0 $0x2;
	s1 =	sand.u32 s1, s14  }
0x70: {  	p1 =	sgt.s32 s11, $0xC00;
	p0 =	sgt.s32 s12, $0xC70;
	s0 =	ssub.s32 s0, s1  }
0x71: {  	s1 =	sand.u32 s21, s2;
	s3 =	simm.s32 @!p0 $0xC70;
	s4 =	sadd.s32 $0xFFFFFFFE, s0  }
0x72: {  	s5 =	ssub.s32 $0x3, s0;
	[dreg:$0x13] =	wrdreg s1;
	s22 =	sadd.s32 s1, s3  }
0x73: {  	s3 =	smov.u32 s11;
	s1 =	sand.u32 s23, s24;
	p0 =	sgt.s32 s4, $0x0  }
0x74: {  	s25 =	sadd.s32 $0xFFFFF390, s22;
	s3 =	simm.s32 @!p1 $0xC00;
	s0 =	ssub.s32 $0xCF0, s22  }
0x75: {  	[dreg:$0x12] =	wrdreg s1;
	p1 =	sgt.s32 s25, $0x7F;
	s1 =	sadd.s32 s1, s3  }
0x76: {  	s5 =	simm.s32 @p0 $0x0;
	s0 =	simm.s32 @p1 $0x0;
	s26 =	sadd.s32 $0xFFFFF400, s1  }
0x77: {  	s1 =	ssub.s32 $0xD00, s1;
	s0 =	smul.u32 s5, s0;
	p0 =	sgt.s32 s26, $0xFF  }
0x78: {  	[dreg:$0xb] =	wrdreg s15;
	s2 =	sadd.s32 $0x1, s14;
	s1 =	simm.s32 @p0 $0x0  }
0x79: {  	p0 =	slt.s32 s2, $0x3;
	s0 =	smul.u32 s1, s0;
	s1 =	sadd.s32 $0x80, s12  }
0x7a: {  	[dreg:$0x9] =	wrdreg s13;
	s2 =	simm.s32 @!p0 $0x3;
	p0 =	slt.s32 s1, $0xCF0  }
0x7b: {  	[dreg:$0x7] =	wrdreg s11;
	s27 =	ssub.s32 s2, s14;
	s1 =	simm.s32 @!p0 $0xCF0  }
0x7c: {  	[dreg:$0xa] =	wrdreg s14;
	p0 =	slt.s32 s27, $0x1;
	s24 =	ssub.s32 s1, s12  }
0x7d: {  	[dreg:$0x8] =	wrdreg s12;
	p1 =	slt.s32 @!p0 s24, $0x1  }
0x7e: {  	[dreg:$0xd] =	wrdreg s17;
	s29 =	simm.s32 $0x1;
	p1 =	por p0, p1  }
.Ltmp4:
0x7f: {  	[dreg:$0x11] =	wrdreg s5;
	s0 =	sshrl.u32 s0, $0x1;
	(pc) =	sbr.rel @p1 .LBB1_16-.Ltmp4, $4  }
0x80: {  	[dreg:$0x15] =	wrdreg s27;
	s28 =	sand.u32 $0x3FFFFFFF, s0;
	s0 =	sand.u32 $0x1, s17  }
0x81: {  	_ =	swait.ge [sflag:s29], s28;
	s31 =	smul.u32 $0x8100, s0  }
0x82: {  	s30 =	ssub.s32 $0x0, s28;
	[sflag:s29] =	ssyncset.done $0x0  }
0x83: {  	[sflag:s29] =	ssyncadd.s32 s30;
	[dreg:$0x14] =	wrdreg s31  }
0x84: {  	s2 =	rddreg [dreg:$0x7]  }
0x85: {  	s1 =	sadd.s32 $0x100, s2  }
0x86: {  	p1 =	slt.s32 s1, $0xCF0  }
0x87: {  	s1 =	simm.s32 @!p1 $0xCF0  }
0x88: {  	s27 =	sshll.u32 @!p0 s0, $0xE;
	s1 =	ssub.s32 s1, s2  }
.Ltmp5:
0x89: {  	s2 =	sadd.s32 $0xF, s1;
	s1 =	sadd.s32 @!p0 $0x1F, s1;
	(pc) =	sbr.rel .LBB1_6-.Ltmp5, $4  }
0x8a: {  	s25 =	sand.u32 $0xFFFFFFF0, s2;
	s2 =	rddreg [dreg:$0x14];
	s3 =	sshll.u32 s1, $0x3  }
0x8b: {  	s26 =	sand.u32 @!p0 $0xFFFFFF00, s1;
	s2 =	sshrl.u32 @!p0 s2, $0x1;
	s31 =	sand.u32 $0xFFFFF800, s3  }
0x8c: {  	s3 =	simm.s32 $0x0;
	s0 =	sor.u32 @!p0 $0x8000, s2;
	[dreg:$0x17] =	wrdreg s31  }
0x8d: {  	p1 =	sge.s32 s26, s25;
	p0 =	slt.s32 s1, $0x100;
	[dreg:$0x16] =	wrdreg s0  }
.LBB1_15:
0x8e: {  	s3 =	rddreg [dreg:$0x18]  }
0x8f: {  	s0 =	rddreg [dreg:$0x15];
	s3 =	sadd.s32 $0x1, s3  }
0x90: {  	p2 =	sne.s32 s3, s0  }
.Ltmp6:
0x91: {  	_ = 	snop;
	(pc) =	sbr.rel @!p2 .LBB1_16-.Ltmp6, $1  }
0x92: {  	_ =	sdelay $0x3  }
.LBB1_6:
0x93: {  	s0 =	smul.u32 $0x10200, s3;
	_ =	sdelay $0x1  }
0x94: {  	s1 =	sshll.u32 s3, $0x10;
	s2 =	rddreg [dreg:$0x16];
	s0 =	sshra.s32 s0, $0x2  }
0x95: {  	[dreg:$0x18] =	wrdreg s3;
	s1 =	sshra.s32 s1, $0x2;
	s31 =	sadd.s32 s0, s2  }
0x96: {  	s30 =	sshll.u32 s3, $0xE;
	s20 =	sadd.s32 s1, s27;
	s21 =	sadd.s32 $0x810, s31  }
.Ltmp7:
0x97: {  	v0 =	vmov s20;
	s22 =	sadd.s32 $0x1020, s31;
	[dreg:$0x19] =	wrdreg s21;
	(pc) =	sbr.rel .LBB1_7-.Ltmp7, $4  }
0x98: {  	s6 =	simm.s32 $0x0;
	s23 =	sadd.s32 $0x1830, s31;
	[dreg:$0x1a] =	wrdreg s22  }
0x99: {  	s2 =	simm.s32 $0x0;
	s28 =	sadd.s32 $0x2040, s31;
	[dreg:$0x1b] =	wrdreg s23  }
0x9a: {  	s29 =	sadd.s32 $0x2850, s31;
	s5 =	sadd.s32 $0x3060, s31;
	[dreg:$0x1c] =	wrdreg s28  }
0x9b: {  	v1 =	vmov s30;
	s7 =	sadd.s32 $0x3870, s31;
	[dreg:$0x1d] =	wrdreg s29;
	s22 =	simm.s32 $0x0  }
.LBB1_14:
0x9c: {  	s22 =	sadd.s32 $0x2, s22  }
0x9d: {  	p2 =	slt.s32 s22, s24  }
.Ltmp8:
0x9e: {  	_ = 	snop;
	(pc) =	sbr.rel @!p2 .LBB1_15-.Ltmp8, $2  }
0x9f: {  	_ =	sdelay $0x2  }
0xa0: {  	s6 =	sadd.s32 $0x200, s6;
	s2 =	sadd.s32 $0x100, s2  }
.LBB1_7:
.Ltmp9:
0xa1: {  	(pc) =	sbr.rel @p0 .LBB1_11-.Ltmp9, $2  }
0xa2: {  	_ =	sdelay $0x2  }
0xa3: {  	s20 =	sand.u32 $0x7E, s22  }
0xa4: {  	s0 =	sand.u32 $0xFFFFF800, s6;
	s1 =	sand.u32 $0x300, s2  }
0xa5: {  	s3 =	rddreg [dreg:$0x19];
	s8 =	sor.u32 s1, s0  }
0xa6: {  	s17 =	sadd.s32 s20, s3;
	s3 =	sshrl.u32 s8, $0x1  }
0xa7: {  	s4 =	sadd.s32 $0x400, s8;
	s30 =	sand.u32 $0x3D80, s3  }
0xa8: {  	s4 =	sshrl.u32 s4, $0x1;
	v2 =	vld.idx.msk [tilespmem:v0+s30+$0x0 ss:$0x1], $0xffff  }
0xa9: {  	s0 =	sand.u32 $0x3F80, s4;
	v8 =	vld.idx.msk [tilespmem:v0+s30+$0x10 ss:$0x1], $0xffff  }
0xaa: {  	v3 =	vld.idx.msk [tilespmem:v0+s0+$0x60 ss:$0x1], $0xffff  }
0xab: {  	v4 =	vld.idx.msk [tilespmem:v0+s0+$0x70 ss:$0x1], $0xffff  }
0xac: {  	v5 =	vld.idx.msk [tilespmem:v0+s0+$0x0 ss:$0x1], $0xffff  }
0xad: {  	s19 =	rddreg [dreg:$0x1a];
	v6 =	vld.idx.msk [tilespmem:v0+s0+$0x10 ss:$0x1], $0xffff  }
0xae: {  	s21 =	rddreg [dreg:$0x1b];
	v9 =	vld.idx.msk [tilespmem:v0+s0+$0x20 ss:$0x1], $0xffff  }
0xaf: {  	s18 =	sadd.s32 s20, s31;
	s23 =	rddreg [dreg:$0x1c];
	s10 =	sadd.s32 s20, s5;
	v10 =	vld.idx.msk [tilespmem:v0+s0+$0x30 ss:$0x1], $0xffff  }
0xb0: {  	s29 =	sadd.s32 s20, s7;
	p2 =	sgt.s32 s26, $0x100;
	s11 =	sadd.s32 $0x1, s18;
	v14 =	vld.idx.msk [tilespmem:v0+s0+$0x40 ss:$0x1], $0xffff;
	v4 =	vperm.xlane.i2c.b16 v4;
	v11 =	vperm.xlane.i2c.b16 v3  }
.Ltmp10:
0xb1: {  	s19 =	sadd.s32 s20, s19;
	s21 =	sadd.s32 s20, s21;
	v7 =	vld.idx.msk [tilespmem:v0+s0+$0x50 ss:$0x1], $0xffff;
	v2 =	vperm.xlane.i2c.b16 v2;
	v12 =	vperm.xlane.i2c.b16 v5;
	(pc) =	sbr.rel @!p2 .LBB1_10-.Ltmp10, $4  }
0xb2: {  	s23 =	sadd.s32 s20, s23;
	s1 =	rddreg [dreg:$0x1d];
	s9 =	sadd.s32 $0x1, s10;
	v5 =	vld.idx.msk [tilespmem:v0+s30+$0x20 ss:$0x1], $0xffff;
	v15 =	vperm.xlane.i2c.b16 v6;
	v6 =	vcombine.low v11, v4  }
0xb3: {  	s12 =	sadd.s32 $0x1, s17;
	s14 =	sadd.s32 $0x1, s19;
	s16 =	sadd.s32 $0x1, s21;
	v3 =	vld.idx.msk [tilespmem:v0+s30+$0x30 ss:$0x1], $0xffff;
	v9 =	vperm.xlane.i2c.b16 v9;
	v16 =	vcombine.high v11, v4  }
0xb4: {  	s28 =	sadd.s32 $0x1, s23;
	s13 =	sadd.s32 s20, s1;
	s1 =	sadd.s32 $0x1, s29;
	v4 =	vld.idx.msk [tilespmem:v0+s30+$0x40 ss:$0x1], $0xffff;
	v13 =	vcombine.low v12, v15;
	v11 =	vperm.xlane.i2c.b16 v10;
	[tilespmem:s29+$0x0 ss:$0x81] =	vst.msk $0xffff, v6  }
0xb5: {  	s8 =	sadd.s32 $0x800, s8;
	s15 =	sadd.s32 $0x1, s13;
	s0 =	simm.s32 $0x100;
	v12 =	vcombine.high v12, v15;
	v10 =	vperm.xlane.i2c.b16 v14;
	v6 =	vld.idx.msk [tilespmem:v0+s30+$0x50 ss:$0x1], $0xffff;
	[tilespmem:s1+$0x0 ss:$0x81] =	vst.msk $0xffff, v16  }
.LBB1_9:
0xb6: {  	s3 =	sshrl.u32 s8, $0x1;
	s4 =	sadd.s32 $0x400, s8;
	v14 =	vld.idx.msk [tilespmem:v0+s30+$0x60 ss:$0x1], $0xffff;
	[tilespmem:s23+$0x0 ss:$0x81] =	vst.msk $0xffff, v13;
	v13 =	vcombine.low v9, v11;
	v7 =	vperm.xlane.i2c.b16 v7  }
0xb7: {  	v8 =	vperm.xlane.i2c.b16 v8;
	v9 =	vcombine.high v9, v11;
	s4 =	sshrl.u32 s4, $0x1;
	v15 =	vld.idx.msk [tilespmem:v0+s30+$0x70 ss:$0x1], $0xffff;
	s30 =	sand.u32 $0x3D80, s3;
	[tilespmem:s28+$0x0 ss:$0x81] =	vst.msk $0xffff, v12  }
0xb8: {  	s0 =	sadd.s32 $0x100, s0;
	v5 =	vperm.xlane.i2c.b16 v5;
	v11 =	vld.idx.msk [tilespmem:v0+s30+$0x0 ss:$0x1], $0xffff;
	s3 =	sand.u32 $0x3F80, s4;
	[tilespmem:s13+$0x0 ss:$0x81] =	vst.msk $0xffff, v13;
	v12 =	vcombine.low v10, v7  }
0xb9: {  	p2 =	slt.s32 s0, s26;
	v3 =	vperm.xlane.i2c.b16 v3;
	v7 =	vcombine.high v10, v7;
	v13 =	vld.idx.msk [tilespmem:v0+s3+$0x60 ss:$0x1], $0xffff;
	[tilespmem:s15+$0x0 ss:$0x81] =	vst.msk $0xffff, v9  }
0xba: {  	v10 =	vcombine.low v2, v8;
	v4 =	vperm.xlane.i2c.b16 v4;
	v9 =	vld.idx.msk [tilespmem:v0+s3+$0x70 ss:$0x1], $0xffff;
	[tilespmem:s10+$0x0 ss:$0x81] =	vst.msk $0xffff, v12  }
0xbb: {  	v2 =	vcombine.high v2, v8;
	v6 =	vperm.xlane.i2c.b16 v6;
	v12 =	vld.idx.msk [tilespmem:v0+s3+$0x0 ss:$0x1], $0xffff;
	[tilespmem:s9+$0x0 ss:$0x81] =	vst.msk $0xffff, v7  }
0xbc: {  	v7 =	vcombine.low v5, v3;
	v16 =	vld.idx.msk [tilespmem:v0+s3+$0x10 ss:$0x1], $0xffff;
	[tilespmem:s18+$0x0 ss:$0x81] =	vst.msk $0xffff, v10;
	v10 =	vperm.xlane.i2c.b16 v14  }
0xbd: {  	v3 =	vcombine.high v5, v3;
	v5 =	vperm.xlane.i2c.b16 v15;
	v14 =	vld.idx.msk [tilespmem:v0+s3+$0x20 ss:$0x1], $0xffff;
	[tilespmem:s11+$0x0 ss:$0x81] =	vst.msk $0xffff, v2  }
0xbe: {  	v8 =	vcombine.low v4, v6;
	v2 =	vperm.xlane.i2c.b16 v11;
	v11 =	vld.idx.msk [tilespmem:v0+s3+$0x30 ss:$0x1], $0xffff;
	[tilespmem:s17+$0x0 ss:$0x81] =	vst.msk $0xffff, v7  }
0xbf: {  	v15 =	vld.idx.msk [tilespmem:v0+s3+$0x40 ss:$0x1], $0xffff;
	[tilespmem:s12+$0x0 ss:$0x81] =	vst.msk $0xffff, v3;
	v3 =	vcombine.high v4, v6;
	v4 =	vcombine.low v10, v5  }
0xc0: {  	v13 =	vperm.xlane.i2c.b16 v13;
	v6 =	vperm.xlane.i2c.b16 v9;
	v7 =	vld.idx.msk [tilespmem:v0+s3+$0x50 ss:$0x1], $0xffff;
	[tilespmem:s19+$0x0 ss:$0x81] =	vst.msk $0xffff, v8  }
.Ltmp11:
0xc1: {  	v10 =	vcombine.high v10, v5;
	v12 =	vperm.xlane.i2c.b16 v12;
	v8 =	vld.idx.msk [tilespmem:v0+s30+$0x10 ss:$0x1], $0xffff;
	[tilespmem:s14+$0x0 ss:$0x81] =	vst.msk $0xffff, v3;
	(pc) =	sbr.rel @p2 .LBB1_9-.Ltmp11, $4  }
0xc2: {  	v16 =	vperm.xlane.i2c.b16 v16;
	v17 =	vcombine.low v13, v6;
	v5 =	vld.idx.msk [tilespmem:v0+s30+$0x20 ss:$0x1], $0xffff;
	[tilespmem:s21+$0x0 ss:$0x81] =	vst.msk $0xffff, v4  }
0xc3: {  	v9 =	vperm.xlane.i2c.b16 v14;
	v14 =	vcombine.high v13, v6;
	v3 =	vld.idx.msk [tilespmem:v0+s30+$0x30 ss:$0x1], $0xffff;
	[tilespmem:s16+$0x0 ss:$0x81] =	vst.msk $0xffff, v10  }
0xc4: {  	v13 =	vcombine.low v12, v16;
	v11 =	vperm.xlane.i2c.b16 v11;
	v4 =	vld.idx.msk [tilespmem:v0+s30+$0x40 ss:$0x1], $0xffff;
	[tilespmem:s29+$0x0 ss:$0x81] =	vst.msk $0xffff, v17  }
0xc5: {  	s8 =	sadd.s32 $0x800, s8;
	v12 =	vcombine.high v12, v16;
	v10 =	vperm.xlane.i2c.b16 v15;
	v6 =	vld.idx.msk [tilespmem:v0+s30+$0x50 ss:$0x1], $0xffff;
	[tilespmem:s1+$0x0 ss:$0x81] =	vst.msk $0xffff, v14  }
.LBB1_10:
0xc6: {  	_ =	sdelay $0x1  }
0xc7: {  	[tilespmem:s23+$0x0 ss:$0x81] =	vst.msk $0xffff, v13;
	v54 =	vcombine.low v9, v11;
	v7 =	vperm.xlane.i2c.b16 v7  }
0xc8: {  	v55 =	vcombine.high v9, v11;
	v8 =	vperm.xlane.i2c.b16 v8;
	[tilespmem:s28+$0x0 ss:$0x81] =	vst.msk $0xffff, v12  }
0xc9: {  	v56 =	vld.idx.msk [tilespmem:v0+s30+$0x60 ss:$0x1], $0xffff;
	[tilespmem:s13+$0x0 ss:$0x81] =	vst.msk $0xffff, v54;
	v57 =	vcombine.low v10, v7  }
0xca: {  	v58 =	vld.idx.msk [tilespmem:v0+s30+$0x70 ss:$0x1], $0xffff;
	v5 =	vperm.xlane.i2c.b16 v5;
	v59 =	vcombine.low v2, v8;
	[tilespmem:s15+$0x0 ss:$0x81] =	vst.msk $0xffff, v55  }
0xcb: {  	v7 =	vcombine.high v10, v7;
	v3 =	vperm.xlane.i2c.b16 v3;
	[tilespmem:s10+$0x0 ss:$0x81] =	vst.msk $0xffff, v57  }
0xcc: {  	v2 =	vcombine.high v2, v8;
	v4 =	vperm.xlane.i2c.b16 v4;
	[tilespmem:s18+$0x0 ss:$0x81] =	vst.msk $0xffff, v59  }
0xcd: {  	v6 =	vperm.xlane.i2c.b16 v6;
	v60 =	vcombine.low v5, v3;
	[tilespmem:s9+$0x0 ss:$0x81] =	vst.msk $0xffff, v7  }
0xce: {  	v61 =	vperm.xlane.i2c.b16 v56;
	[tilespmem:s11+$0x0 ss:$0x81] =	vst.msk $0xffff, v2;
	v2 =	vcombine.high v5, v3  }
0xcf: {  	v3 =	vperm.xlane.i2c.b16 v58;
	[tilespmem:s17+$0x0 ss:$0x81] =	vst.msk $0xffff, v60;
	v62 =	vcombine.low v4, v6  }
0xd0: {  	[tilespmem:s12+$0x0 ss:$0x81] =	vst.msk $0xffff, v2;
	v2 =	vcombine.high v4, v6  }
0xd1: {  	v63 =	vcombine.low v61, v3;
	[tilespmem:s19+$0x0 ss:$0x81] =	vst.msk $0xffff, v62  }
0xd2: {  	[tilespmem:s14+$0x0 ss:$0x81] =	vst.msk $0xffff, v2;
	v2 =	vcombine.high v61, v3  }
0xd3: {  	[tilespmem:s21+$0x0 ss:$0x81] =	vst.msk $0xffff, v63  }
0xd4: {  	[tilespmem:s16+$0x0 ss:$0x81] =	vst.msk $0xffff, v2  }
.LBB1_11:
.Ltmp12:
0xd5: {  	(pc) =	sbr.rel @p1 .LBB1_14-.Ltmp12, $1  }
0xd6: {  	_ =	sdelay $0x3  }
0xd7: {  	s0 =	sshll.u32 s22, $0x8;
	s1 =	sshll.u32 s22, $0x7  }
0xd8: {  	s8 =	rddreg [dreg:$0x17];
	s0 =	sand.u32 $0x7800, s0;
	s1 =	sand.u32 $0x300, s1  }
0xd9: {  	s9 =	smov.u32 s26;
	s0 =	sor.u32 s1, s0;
	s1 =	sadd.s32 s20, s31  }
.LBB1_13:
0xda: {  	s3 =	sand.u32 $0x7C00, s8  }
0xdb: {  	s3 =	sadd.s32 s0, s3  }
0xdc: {  	s3 =	sshrl.u32 s3, $0x1  }
0xdd: {  	s3 =	sand.u32 $0x3F80, s3  }
0xde: {  	s4 =	sand.u32 $0x60, s9;
	s3 =	sadd.s32 s3, s27  }
0xdf: {  	s3 =	sadd.s32 s4, s3  }
0xe0: {  	v2 =	vld.idx.msk [tilespmem:v1+s3+$0x0 ss:$0x1], $0xffff  }
0xe1: {  	v3 =	vld.idx.msk [tilespmem:v1+s3+$0x10 ss:$0x1], $0xffff;
	_ =	sdelay $0x3  }
0xe2: {  	s30 =	sand.u32 $0xE0, s9;
	s9 =	sadd.s32 $0x20, s9  }
0xe3: {  	p2 =	slt.s32 s9, s25;
	s3 =	smul.u32 $0x102, s30;
	v3 =	vperm.xlane.i2c.b16 v3;
	v2 =	vperm.xlane.i2c.b16 v2  }
.Ltmp13:
0xe4: {  	_ = 	snop;
	(pc) =	sbr.rel @p2 .LBB1_13-.Ltmp13, $4  }
0xe5: {  	s3 =	sshrl.u32 s3, $0x2;
	v4 =	vcombine.low v2, v3  }
0xe6: {  	s3 =	sadd.s32 s3, s1;
	v2 =	vcombine.high v2, v3  }
0xe7: {  	[tilespmem:s3+$0x0 ss:$0x81] =	vst.msk $0xffff, v4  }
0xe8: {  	s8 =	sadd.s32 $0x100, s8;
	[tilespmem:s3+$0x1 ss:$0x81] =	vst.msk $0xffff, v2  }
.Ltmp14:
0xe9: {  	_ = 	snop;
	(pc) =	sbr.rel .LBB1_14-.Ltmp14, $1  }
0xea: {  	_ =	sdelay $0x3  }
.LBB1_18:
0xeb: {  	_ =	sfence.sel $0x180000  }
0xec: {  	s0 =	simm.s32 $0x1;
	[bflag:$0x0] =	sbarrier.arrive $0xFFFF  }
0xed: {  	s30 =	simm.s32 $0x2;
	[sflag:s0] =	ssyncpa.u1 $0x1  }
0xee: {  	[sflag:s30] =	ssyncpa.u1 $0x1  }
0xef: {  	_ =	strace $0x90000047  }
0xf0: {  	s31 =	stileid.u32;
	[bflag:$0x2] =	sbarrier.arrive $0xFFFF  }
0xf1: {  	p0 =	sne.s32 s31, $0x0;
	s0 =	rddreg [dreg:$0x1]  }
0xf2: {  	s0 =	sadd.s32 @!p0 $0x100000, s0  }
0xf3: {  	[sflag:s0] =	ssyncadd.tile.s32 @!p0 $0x1;
	_ =	shalt  }
.Lfunc_end1:
_tile_overlayer_lowered:
.L_overlay_start_2:
0xf4: {  	(tag) =	ssettag $0x2  }
0xf5: {  	s0 =	rddreg [dreg:$0x0];
	s2 =	stileid.u32  }
0xf6: {  	s1 =	rddreg [dreg:$0x1];
	p0 =	sne.s32 s2, $0x0  }
0xf7: {  	s3 =	rddreg [dreg:$0x2];
	[bflag:$0x3] =	sbarrier.arrive $0xFFFF;
	s2 =	simm.s32 @!p0 $0x1C01  }
0xf8: {  	[timem:s3], [sflag:s2] =	dma.local @!p0 [hbm:s0], s1  }
0xf9: {  	s0 =	simm.s32 @!p0 $0x1  }
0xfa: {  	_ =	swait.ge @!p0 [sflag:s0], s1  }
0xfb: {  	s1 =	ssub.s32 @!p0 $0x0, s1;
	[sflag:s0] =	ssyncset.done @!p0 $0x0  }
0xfc: {  	[sflag:s0] =	ssyncadd.s32 @!p0 s1  }
0xfd: {  	[bflag:$0x3] =	sbarrier.arrive $0xFFFF  }
0xfe: {  	_ =	shalt  }

</sc_bundles>
